<compile_context>
chip_gen: v7x
topology: tpu7x:2x2x1
jax: 0.10.2.dev20260603
libtpu: 0.0.44.dev20260713+nightly
codegen_flags: <defaults>
</compile_context>

<pallas_src>
import functools

import jax
import jax.numpy as jnp
from jax import lax
from jax.experimental import pallas as pl
from jax.experimental.pallas import tpu as pltpu
from jax.experimental.pallas import tpu_sc as plsc

_NS = 16
_LANES = 16

_L = 16384
_D = 64
_STRIDE = _L // _D
_NUM_LABELS = 1000
_PAD_LABELS = 1024
_PER_W = _PAD_LABELS // _NS
_BAND = 128
_PER_S = _D // _NS


def _sc_body(bow_hbm, embt_hbm, wt_hbm, b_hbm, out_hbm,
             span_v, tile_v, w_v, bias_v, stage_v, pool_v, pool_ord_v, out_v,
             shared_pool,
             sem_w, sem_b, sem_g):
    sid = lax.axis_index("s")
    base = sid * _PER_W
    band = pl.multiple_of((base // _BAND) * _BAND, _BAND)
    co = pl.multiple_of(base - band, 8)

    w_cp = pltpu.async_copy(wt_hbm.at[:, pl.ds(band, _BAND)], w_v, sem_w)
    b_cp = pltpu.async_copy(b_hbm, bias_v.at[pl.ds(0, _NUM_LABELS)], sem_b)

    pltpu.sync_copy(bow_hbm.at[pl.ds(pl.multiple_of(1024 * sid, 128), 1024)],
                    span_v)
    lanes = lax.iota(jnp.int32, _LANES)
    zeros = jnp.zeros((_LANES,), jnp.int32)
    off = jnp.minimum(lanes, _PER_S - 1) * _STRIDE
    idxv = plsc.load_gather(span_v, [off])

    copies = []
    for d in range(_PER_S):
        row = idxv[d]
        cb = pl.multiple_of(row & jnp.int32(-_BAND), _BAND)
        copies.append(pltpu.async_copy(
            embt_hbm.at[pl.ds(0, 8), pl.ds(cb, _BAND)], tile_v.at[d], sem_g))
    vec4 = jnp.zeros((_LANES,), jnp.float32)
    for d in range(_PER_S):
        copies[d].wait()
        row = idxv[d]
        col = zeros + (row & jnp.int32(_BAND - 1))
        val = plsc.load_gather(tile_v.at[d], [zeros, col])
        vec4 = jnp.where(lanes == d, val, vec4)
    stage_v[...] = vec4
    pltpu.sync_copy(stage_v.at[pl.ds(0, 8)],
                    shared_pool.at[pl.ds(8 * sid, 8)])
    plsc.subcore_barrier()

    pltpu.sync_copy(shared_pool, pool_v)
    for g in range(_D // _LANES):
        ivec = lanes + g * _LANES
        perm = 8 * (ivec // _PER_S) + ivec % _PER_S
        pool_ord_v[pl.ds(g * _LANES, _LANES)] = plsc.load_gather(pool_v, [perm])

    w_cp.wait()
    b_cp.wait()

    def mv_body(it, accs):
        accs = list(accs)
        for u in range(2):
            i = it * 2 + u
            bvec = plsc.load_gather(pool_ord_v, [zeros + i])
            for h in range(_PER_W // _LANES):
                accs[h] = accs[h] + bvec * w_v[i, pl.ds(co + h * _LANES, _LANES)]
        return tuple(accs)

    acc = lax.fori_loop(
        0, _D // 2, mv_body,
        tuple(bias_v[pl.ds(base + h * _LANES, _LANES)]
              for h in range(_PER_W // _LANES)))

    for h in range(_PER_W // _LANES):
        out_v[pl.ds(h * _LANES, _LANES)] = 1.0 / (1.0 + jnp.exp(-acc[h]))
    pltpu.sync_copy(out_v, out_hbm.at[pl.ds(pl.multiple_of(base, 8), _PER_W)])


_sc_call = functools.partial(
    pl.kernel,
    out_type=jax.ShapeDtypeStruct((_NUM_LABELS,), jnp.float32),
    mesh=plsc.VectorSubcoreMesh(core_axis_name="c", subcore_axis_name="s",
                                num_cores=1, num_subcores=_NS),
    compiler_params=pltpu.CompilerParams(use_tc_tiling_on_sc=True,
                                         needs_layout_passes=False,
                                         disable_bounds_checks=True),
    scratch_types=[
        pltpu.VMEM((1024,), jnp.int32),
        pltpu.VMEM((_PER_S, 8, _BAND), jnp.float32),
        pltpu.VMEM((_D, _BAND), jnp.float32),
        pltpu.VMEM((_PAD_LABELS,), jnp.float32),
        pltpu.VMEM((_LANES,), jnp.float32),
        pltpu.VMEM((8 * _NS,), jnp.float32),
        pltpu.VMEM((_D,), jnp.float32),
        pltpu.VMEM((_PER_W,), jnp.float32),
        pltpu.VMEM_SHARED((8 * _NS,), jnp.float32),
        pltpu.SemaphoreType.DMA,
        pltpu.SemaphoreType.DMA,
        pltpu.SemaphoreType.DMA,
    ],
)(_sc_body)


def kernel(bow_vec, emb_table, W, b):
    out = _sc_call(bow_vec.astype(jnp.int32), emb_table.T, W.T, b)
    return out.reshape(1, _NUM_LABELS)

# --- scband reference (transcript-rebuilt; emitter-appended) ---
"""Pipeline reference for scband-bo-wclassifier-5368709120158 (READ-ONLY COPY).

The authoritative reference and input builder live on the scoring server;
editing this copy changes nothing except your own understanding.
"""

import jax, jax.numpy as jnp
import numpy as np

VOCAB = 1000000
EMBED_DIM = 64
NUM_LABELS = 1000
L = 16384


def setup_inputs(seed: int = 0) -> dict:
    key = jax.random.key(seed)
    k1, k2, k3, k4 = jax.random.split(key, 4)
    bow_vec = jax.random.randint(k1, (L,), 0, VOCAB, dtype=jnp.int64)
    emb_table = jax.random.normal(k2, (VOCAB, EMBED_DIM), dtype=jnp.float32)
    W = jax.random.normal(k3, (NUM_LABELS, EMBED_DIM), dtype=jnp.float32) * (1.0 / np.sqrt(EMBED_DIM))
    b = jax.random.normal(k4, (NUM_LABELS,), dtype=jnp.float32) * 0.01
    return {"bow_vec": bow_vec, "emb_table": emb_table, "W": W, "b": b}


def reference(bow_vec, emb_table, W, b):
    # embeds = self.embeddings(bow_vec).view(1, 1, -1)
    embeds = jnp.take(emb_table, bow_vec, axis=0)          # [L, D] gather
    flat = embeds.reshape(1, 1, -1)                         # [1, 1, L*D]
    # AvgPool1d(kernel_size=len(embeds)=1, stride=len(bow_vec)=L)
    # With kernel_size=1 this just strides over the flattened embedding:
    # out[i] = flat[i*L], n_out = (L*D - 1)//L + 1 = D
    stride = bow_vec.shape[0]
    total = flat.shape[-1]
    n_out = (total - 1) // stride + 1
    pooled = flat[0, 0, ::stride][:n_out]                   # [D]
    final_input = pooled.reshape(1, -1)                     # [1, D]
    logits = final_input @ W.T + b                          # [1, num_labels]
    return jax.nn.sigmoid(logits)

if __name__ == "__main__":
    import jax
    _d = setup_inputs()
    print(jax.jit(kernel)(*tuple(_d.values())))

</pallas_src>

<mosaic_0001>
#map = affine_map<(d0, d1) -> (0)>
#map1 = affine_map<(d0, d1) -> (0, 0)>
module attributes {stable_mosaic.version = 14 : i64} {
  func.func @_sc_body(%arg0: i32, %arg1: i32, %arg2: memref<16384xi32, #tpu.memory_space<hbm>>, %arg3: memref<64x1000000xf32, #tpu.memory_space<hbm>>, %arg4: memref<64x1000xf32, #tpu.memory_space<hbm>>, %arg5: memref<1000xf32, #tpu.memory_space<hbm>>, %arg6: memref<1000xf32, #tpu.memory_space<hbm>>, %arg7: memref<1024xi32, #tpu.memory_space<vmem>>, %arg8: memref<4x8x128xf32, #tpu.memory_space<vmem>>, %arg9: memref<64x128xf32, #tpu.memory_space<vmem>>, %arg10: memref<1024xf32, #tpu.memory_space<vmem>>, %arg11: memref<16xf32, #tpu.memory_space<vmem>>, %arg12: memref<128xf32, #tpu.memory_space<vmem>>, %arg13: memref<64xf32, #tpu.memory_space<vmem>>, %arg14: memref<64xf32, #tpu.memory_space<vmem>>, %arg15: memref<128xf32, #tpu.memory_space<vmem_shared>>, %arg16: memref<!tpu.dma_semaphore, #tpu.memory_space<semaphore_mem>>, %arg17: memref<!tpu.dma_semaphore, #tpu.memory_space<semaphore_mem>>, %arg18: memref<!tpu.dma_semaphore, #tpu.memory_space<semaphore_mem>>) attributes {dimension_semantics = [#tpu.dimension_semantics<core_parallel>, #tpu.dimension_semantics<subcore_parallel>], iteration_bounds = array<i64: 1, 16>, scalar_prefetch = 0 : i64, scratch_operands = 12 : i64, tpu.core_type = #tpu.core_type<sc_vector_subcore>, window_params = [{transform_indices = #map}, {transform_indices = #map1}, {transform_indices = #map1}, {transform_indices = #map}, {transform_indices = #map}]} {
    %mul3A = arith.constant 64 : i32
    %mul3A_0 = arith.muli %arg1, %mul3A : i32
    %jit3A = arith.constant 128 : i32
    %div3A = arith.divsi %mul3A_0, %jit3A : i32
    %sign3A = arith.constant 0 : i32
    %sign3A_1 = arith.cmpi sgt, %mul3A_0, %sign3A : i32
    %sign3A_2 = arith.extui %sign3A_1 : i1 to i32
    %sign3A_3 = arith.constant 0 : i32
    %sign3A_4 = arith.cmpi slt, %mul3A_0, %sign3A_3 : i32
    %sign3A_5 = arith.extui %sign3A_4 : i1 to i32
    %sign3A_6 = arith.subi %sign3A_2, %sign3A_5 : i32
    %sign3A_7 = arith.constant 0 : i32
    %sign3A_8 = arith.cmpi sgt, %jit3A, %sign3A_7 : i32
    %sign3A_9 = arith.extui %sign3A_8 : i1 to i32
    %sign3A_10 = arith.constant 0 : i32
    %sign3A_11 = arith.cmpi slt, %jit3A, %sign3A_10 : i32
    %sign3A_12 = arith.extui %sign3A_11 : i1 to i32
    %sign3A_13 = arith.subi %sign3A_9, %sign3A_12 : i32
    %ne3A = arith.cmpi ne, %sign3A_6, %sign3A_13 : i32
    %rem3A = arith.remsi %mul3A_0, %jit3A : i32
    %ne3A_14 = arith.constant 0 : i32
    %ne3A_15 = arith.cmpi ne, %rem3A, %ne3A_14 : i32
    %and3A = arith.andi %ne3A, %ne3A_15 : i1
    %sub3A = arith.constant 1 : i32
    %sub3A_16 = arith.subi %div3A, %sub3A : i32
    %select_n3A = arith.select %and3A, %sub3A_16, %div3A : i32
    %mul3A_17 = arith.constant 128 : i32
    %mul3A_18 = arith.muli %select_n3A, %mul3A_17 : i32
    %multiple_of3A = tpu.assume_multiple %mul3A_18, 128 : i32
    %sub3A_19 = arith.subi %mul3A_0, %multiple_of3A : i32
    %multiple_of3A_20 = tpu.assume_multiple %sub3A_19, 8 : i32
    %dma_start3A = arith.constant 0 : i32
    %dma_start3A_21 = tpu.memref_slice %arg4[%dma_start3A, %multiple_of3A] : memref<64x1000xf32, #tpu.memory_space<hbm>> -> memref<64x128xf32, #tpu.memory_space<hbm>>
    %dma_start3A_22 = arith.constant 0 : i32
    %dma_start3A_23 = tpu.memref_slice %arg4[%dma_start3A_22, %multiple_of3A] : memref<64x1000xf32, #tpu.memory_space<hbm>> -> memref<64x128xf32, #tpu.memory_space<hbm>>
    tpu.enqueue_dma source(%dma_start3A_23 : memref<64x128xf32, #tpu.memory_space<hbm>>) target(%arg9 : memref<64x128xf32, #tpu.memory_space<vmem>>) target_semaphore(%arg16 : memref<!tpu.dma_semaphore, #tpu.memory_space<semaphore_mem>>)
    %dma_start3A_24 = arith.constant 0 : i32
    %dma_start3A_25 = tpu.memref_slice %arg10[%dma_start3A_24] : memref<1024xf32, #tpu.memory_space<vmem>> -> memref<1000xf32, #tpu.memory_space<vmem>>
    %dma_start3A_26 = arith.constant 0 : i32
    %dma_start3A_27 = tpu.memref_slice %arg10[%dma_start3A_26] : memref<1024xf32, #tpu.memory_space<vmem>> -> memref<1000xf32, #tpu.memory_space<vmem>>
    tpu.enqueue_dma source(%arg5 : memref<1000xf32, #tpu.memory_space<hbm>>) target(%dma_start3A_27 : memref<1000xf32, #tpu.memory_space<vmem>>) target_semaphore(%arg17 : memref<!tpu.dma_semaphore, #tpu.memory_space<semaphore_mem>>)
    %mul3A_28 = arith.constant 1024 : i32
    %mul3A_29 = arith.muli %mul3A_28, %arg1 : i32
    %multiple_of3A_30 = tpu.assume_multiple %mul3A_29, 128 : i32
    "tpu.region"() ({
      %run_scoped3A = tpu.sem_alloc : memref<!tpu.dma_semaphore, #tpu.memory_space<semaphore_mem>>
      %dma_start3A_551 = tpu.memref_slice %arg2[%multiple_of3A_30] : memref<16384xi32, #tpu.memory_space<hbm>> -> memref<1024xi32, #tpu.memory_space<hbm>>
      %dma_start3A_552 = tpu.memref_slice %arg2[%multiple_of3A_30] : memref<16384xi32, #tpu.memory_space<hbm>> -> memref<1024xi32, #tpu.memory_space<hbm>>
      tpu.enqueue_dma source(%dma_start3A_552 : memref<1024xi32, #tpu.memory_space<hbm>>) target(%arg7 : memref<1024xi32, #tpu.memory_space<vmem>>) target_semaphore(%run_scoped3A : memref<!tpu.dma_semaphore, #tpu.memory_space<semaphore_mem>>)
      %dma_wait3A_553 = tpu.memref_slice %arg2[%multiple_of3A_30] : memref<16384xi32, #tpu.memory_space<hbm>> -> memref<1024xi32, #tpu.memory_space<hbm>>
      %dma_wait3A_554 = tpu.memref_slice %arg2[%multiple_of3A_30] : memref<16384xi32, #tpu.memory_space<hbm>> -> memref<1024xi32, #tpu.memory_space<hbm>>
      tpu.wait_dma2 semaphore(%run_scoped3A : memref<!tpu.dma_semaphore, #tpu.memory_space<semaphore_mem>>) src(%dma_wait3A_554 : memref<1024xi32, #tpu.memory_space<hbm>>) dst(%arg7 : memref<1024xi32, #tpu.memory_space<vmem>>)
      tpu.yield
    }) : () -> ()
    %iota3A = tpu.iota {dimensions = array<i32: 0>} : vector<16xi32>
    %broadcast_in_dim3A = arith.constant 0 : i32
    %broadcast_in_dim3A_31 = vector.broadcast %broadcast_in_dim3A : i32 to vector<16xi32>
    %min3A = arith.constant 3 : i32
    %min3A_32 = vector.broadcast %min3A : i32 to vector<16xi32>
    %min3A_33 = arith.minsi %iota3A, %min3A_32 : vector<16xi32>
    %mul3A_34 = arith.constant 256 : i32
    %mul3A_35 = vector.broadcast %mul3A_34 : i32 to vector<16xi32>
    %mul3A_36 = arith.muli %min3A_33, %mul3A_35 : vector<16xi32>
    %gather3A = tpu.vector_load_idx %arg7[%mul3A_36] : memref<1024xi32, #tpu.memory_space<vmem>>[vector<16xi32>], vector<16xi32>,
    %slice3A = vector.extract_strided_slice %gather3A {offsets = [0], sizes = [1], strides = [1]} : vector<16xi32> to vector<1xi32>
    %squeeze3A = vector.extract %slice3A[0] : i32 from vector<1xi32>
    %and3A_37 = arith.constant -128 : i32
    %and3A_38 = arith.andi %squeeze3A, %and3A_37 : i32
    %multiple_of3A_39 = tpu.assume_multiple %and3A_38, 128 : i32
    %dma_start3A_40 = arith.constant 0 : i32
    %dma_start3A_41 = arith.constant 0 : i32
    %dma_start3A_42 = arith.constant 0 : i32
    %dma_start3A_43 = tpu.memref_slice %arg8[%dma_start3A_40, %dma_start3A_41, %dma_start3A_42] : memref<4x8x128xf32, #tpu.memory_space<vmem>> -> memref<1x8x128xf32, #tpu.memory_space<vmem>>
    %dma_start3A_44 = tpu.memref_squeeze %dma_start3A_43 : memref<1x8x128xf32, #tpu.memory_space<vmem>> -> memref<8x128xf32, #tpu.memory_space<vmem>>
    %dma_start3A_45 = arith.constant 0 : i32
    %dma_start3A_46 = tpu.memref_slice %arg3[%dma_start3A_45, %multiple_of3A_39] : memref<64x1000000xf32, #tpu.memory_space<hbm>> -> memref<8x128xf32, #tpu.memory_space<hbm>>
    %dma_start3A_47 = arith.constant 0 : i32
    %dma_start3A_48 = arith.constant 0 : i32
    %dma_start3A_49 = tpu.memref_slice %arg8[%dma_start3A_40, %dma_start3A_47, %dma_start3A_48] : memref<4x8x128xf32, #tpu.memory_space<vmem>> -> memref<1x8x128xf32, #tpu.memory_space<vmem>>
    %dma_start3A_50 = tpu.memref_squeeze %dma_start3A_49 : memref<1x8x128xf32, #tpu.memory_space<vmem>> -> memref<8x128xf32, #tpu.memory_space<vmem>>
    %dma_start3A_51 = arith.constant 0 : i32
    %dma_start3A_52 = tpu.memref_slice %arg3[%dma_start3A_51, %multiple_of3A_39] : memref<64x1000000xf32, #tpu.memory_space<hbm>> -> memref<8x128xf32, #tpu.memory_space<hbm>>
    tpu.enqueue_dma source(%dma_start3A_52 : memref<8x128xf32, #tpu.memory_space<hbm>>) target(%dma_start3A_50 : memref<8x128xf32, #tpu.memory_space<vmem>>) target_semaphore(%arg18 : memref<!tpu.dma_semaphore, #tpu.memory_space<semaphore_mem>>)
    %slice3A_53 = vector.extract_strided_slice %gather3A {offsets = [1], sizes = [1], strides = [1]} : vector<16xi32> to vector<1xi32>
    %squeeze3A_54 = vector.extract %slice3A_53[0] : i32 from vector<1xi32>
    %and3A_55 = arith.constant -128 : i32
    %and3A_56 = arith.andi %squeeze3A_54, %and3A_55 : i32
    %multiple_of3A_57 = tpu.assume_multiple %and3A_56, 128 : i32
    %dma_start3A_58 = arith.constant 1 : i32
    %dma_start3A_59 = arith.constant 0 : i32
    %dma_start3A_60 = arith.constant 0 : i32
    %dma_start3A_61 = tpu.memref_slice %arg8[%dma_start3A_58, %dma_start3A_59, %dma_start3A_60] : memref<4x8x128xf32, #tpu.memory_space<vmem>> -> memref<1x8x128xf32, #tpu.memory_space<vmem>>
    %dma_start3A_62 = tpu.memref_squeeze %dma_start3A_61 : memref<1x8x128xf32, #tpu.memory_space<vmem>> -> memref<8x128xf32, #tpu.memory_space<vmem>>
    %dma_start3A_63 = arith.constant 0 : i32
    %dma_start3A_64 = tpu.memref_slice %arg3[%dma_start3A_63, %multiple_of3A_57] : memref<64x1000000xf32, #tpu.memory_space<hbm>> -> memref<8x128xf32, #tpu.memory_space<hbm>>
    %dma_start3A_65 = arith.constant 0 : i32
    %dma_start3A_66 = arith.constant 0 : i32
    %dma_start3A_67 = tpu.memref_slice %arg8[%dma_start3A_58, %dma_start3A_65, %dma_start3A_66] : memref<4x8x128xf32, #tpu.memory_space<vmem>> -> memref<1x8x128xf32, #tpu.memory_space<vmem>>
    %dma_start3A_68 = tpu.memref_squeeze %dma_start3A_67 : memref<1x8x128xf32, #tpu.memory_space<vmem>> -> memref<8x128xf32, #tpu.memory_space<vmem>>
    %dma_start3A_69 = arith.constant 0 : i32
    %dma_start3A_70 = tpu.memref_slice %arg3[%dma_start3A_69, %multiple_of3A_57] : memref<64x1000000xf32, #tpu.memory_space<hbm>> -> memref<8x128xf32, #tpu.memory_space<hbm>>
    tpu.enqueue_dma source(%dma_start3A_70 : memref<8x128xf32, #tpu.memory_space<hbm>>) target(%dma_start3A_68 : memref<8x128xf32, #tpu.memory_space<vmem>>) target_semaphore(%arg18 : memref<!tpu.dma_semaphore, #tpu.memory_space<semaphore_mem>>)
    %slice3A_71 = vector.extract_strided_slice %gather3A {offsets = [2], sizes = [1], strides = [1]} : vector<16xi32> to vector<1xi32>
    %squeeze3A_72 = vector.extract %slice3A_71[0] : i32 from vector<1xi32>
    %and3A_73 = arith.constant -128 : i32
    %and3A_74 = arith.andi %squeeze3A_72, %and3A_73 : i32
    %multiple_of3A_75 = tpu.assume_multiple %and3A_74, 128 : i32
    %dma_start3A_76 = arith.constant 2 : i32
    %dma_start3A_77 = arith.constant 0 : i32
    %dma_start3A_78 = arith.constant 0 : i32
    %dma_start3A_79 = tpu.memref_slice %arg8[%dma_start3A_76, %dma_start3A_77, %dma_start3A_78] : memref<4x8x128xf32, #tpu.memory_space<vmem>> -> memref<1x8x128xf32, #tpu.memory_space<vmem>>
    %dma_start3A_80 = tpu.memref_squeeze %dma_start3A_79 : memref<1x8x128xf32, #tpu.memory_space<vmem>> -> memref<8x128xf32, #tpu.memory_space<vmem>>
    %dma_start3A_81 = arith.constant 0 : i32
    %dma_start3A_82 = tpu.memref_slice %arg3[%dma_start3A_81, %multiple_of3A_75] : memref<64x1000000xf32, #tpu.memory_space<hbm>> -> memref<8x128xf32, #tpu.memory_space<hbm>>
    %dma_start3A_83 = arith.constant 0 : i32
    %dma_start3A_84 = arith.constant 0 : i32
    %dma_start3A_85 = tpu.memref_slice %arg8[%dma_start3A_76, %dma_start3A_83, %dma_start3A_84] : memref<4x8x128xf32, #tpu.memory_space<vmem>> -> memref<1x8x128xf32, #tpu.memory_space<vmem>>
    %dma_start3A_86 = tpu.memref_squeeze %dma_start3A_85 : memref<1x8x128xf32, #tpu.memory_space<vmem>> -> memref<8x128xf32, #tpu.memory_space<vmem>>
    %dma_start3A_87 = arith.constant 0 : i32
    %dma_start3A_88 = tpu.memref_slice %arg3[%dma_start3A_87, %multiple_of3A_75] : memref<64x1000000xf32, #tpu.memory_space<hbm>> -> memref<8x128xf32, #tpu.memory_space<hbm>>
    tpu.enqueue_dma source(%dma_start3A_88 : memref<8x128xf32, #tpu.memory_space<hbm>>) target(%dma_start3A_86 : memref<8x128xf32, #tpu.memory_space<vmem>>) target_semaphore(%arg18 : memref<!tpu.dma_semaphore, #tpu.memory_space<semaphore_mem>>)
    %slice3A_89 = vector.extract_strided_slice %gather3A {offsets = [3], sizes = [1], strides = [1]} : vector<16xi32> to vector<1xi32>
    %squeeze3A_90 = vector.extract %slice3A_89[0] : i32 from vector<1xi32>
    %and3A_91 = arith.constant -128 : i32
    %and3A_92 = arith.andi %squeeze3A_90, %and3A_91 : i32
    %multiple_of3A_93 = tpu.assume_multiple %and3A_92, 128 : i32
    %dma_start3A_94 = arith.constant 3 : i32
    %dma_start3A_95 = arith.constant 0 : i32
    %dma_start3A_96 = arith.constant 0 : i32
    %dma_start3A_97 = tpu.memref_slice %arg8[%dma_start3A_94, %dma_start3A_95, %dma_start3A_96] : memref<4x8x128xf32, #tpu.memory_space<vmem>> -> memref<1x8x128xf32, #tpu.memory_space<vmem>>
    %dma_start3A_98 = tpu.memref_squeeze %dma_start3A_97 : memref<1x8x128xf32, #tpu.memory_space<vmem>> -> memref<8x128xf32, #tpu.memory_space<vmem>>
    %dma_start3A_99 = arith.constant 0 : i32
    %dma_start3A_100 = tpu.memref_slice %arg3[%dma_start3A_99, %multiple_of3A_93] : memref<64x1000000xf32, #tpu.memory_space<hbm>> -> memref<8x128xf32, #tpu.memory_space<hbm>>
    %dma_start3A_101 = arith.constant 0 : i32
    %dma_start3A_102 = arith.constant 0 : i32
    %dma_start3A_103 = tpu.memref_slice %arg8[%dma_start3A_94, %dma_start3A_101, %dma_start3A_102] : memref<4x8x128xf32, #tpu.memory_space<vmem>> -> memref<1x8x128xf32, #tpu.memory_space<vmem>>
    %dma_start3A_104 = tpu.memref_squeeze %dma_start3A_103 : memref<1x8x128xf32, #tpu.memory_space<vmem>> -> memref<8x128xf32, #tpu.memory_space<vmem>>
    %dma_start3A_105 = arith.constant 0 : i32
    %dma_start3A_106 = tpu.memref_slice %arg3[%dma_start3A_105, %multiple_of3A_93] : memref<64x1000000xf32, #tpu.memory_space<hbm>> -> memref<8x128xf32, #tpu.memory_space<hbm>>
    tpu.enqueue_dma source(%dma_start3A_106 : memref<8x128xf32, #tpu.memory_space<hbm>>) target(%dma_start3A_104 : memref<8x128xf32, #tpu.memory_space<vmem>>) target_semaphore(%arg18 : memref<!tpu.dma_semaphore, #tpu.memory_space<semaphore_mem>>)
    %broadcast_in_dim3A_107 = arith.constant 0.000000e+00 : f32
    %broadcast_in_dim3A_108 = vector.broadcast %broadcast_in_dim3A_107 : f32 to vector<16xf32>
    %dma_wait3A = arith.constant 0 : i32
    %dma_wait3A_109 = arith.constant 0 : i32
    %dma_wait3A_110 = arith.constant 0 : i32
    %dma_wait3A_111 = tpu.memref_slice %arg8[%dma_wait3A, %dma_wait3A_109, %dma_wait3A_110] : memref<4x8x128xf32, #tpu.memory_space<vmem>> -> memref<1x8x128xf32, #tpu.memory_space<vmem>>
    %dma_wait3A_112 = tpu.memref_squeeze %dma_wait3A_111 : memref<1x8x128xf32, #tpu.memory_space<vmem>> -> memref<8x128xf32, #tpu.memory_space<vmem>>
    %dma_wait3A_113 = arith.constant 0 : i32
    %dma_wait3A_114 = tpu.memref_slice %arg3[%dma_wait3A_113, %multiple_of3A_39] : memref<64x1000000xf32, #tpu.memory_space<hbm>> -> memref<8x128xf32, #tpu.memory_space<hbm>>
    %dma_wait3A_115 = arith.constant 0 : i32
    %dma_wait3A_116 = arith.constant 0 : i32
    %dma_wait3A_117 = tpu.memref_slice %arg8[%dma_wait3A, %dma_wait3A_115, %dma_wait3A_116] : memref<4x8x128xf32, #tpu.memory_space<vmem>> -> memref<1x8x128xf32, #tpu.memory_space<vmem>>
    %dma_wait3A_118 = tpu.memref_squeeze %dma_wait3A_117 : memref<1x8x128xf32, #tpu.memory_space<vmem>> -> memref<8x128xf32, #tpu.memory_space<vmem>>
    %dma_wait3A_119 = arith.constant 0 : i32
    %dma_wait3A_120 = tpu.memref_slice %arg3[%dma_wait3A_119, %multiple_of3A_39] : memref<64x1000000xf32, #tpu.memory_space<hbm>> -> memref<8x128xf32, #tpu.memory_space<hbm>>
    tpu.wait_dma2 semaphore(%arg18 : memref<!tpu.dma_semaphore, #tpu.memory_space<semaphore_mem>>) src(%dma_wait3A_120 : memref<8x128xf32, #tpu.memory_space<hbm>>) dst(%dma_wait3A_118 : memref<8x128xf32, #tpu.memory_space<vmem>>)
    %slice3A_121 = vector.extract_strided_slice %gather3A {offsets = [0], sizes = [1], strides = [1]} : vector<16xi32> to vector<1xi32>
    %squeeze3A_122 = vector.extract %slice3A_121[0] : i32 from vector<1xi32>
    %and3A_123 = arith.constant 127 : i32
    %and3A_124 = arith.andi %squeeze3A_122, %and3A_123 : i32
    %add3A = vector.broadcast %and3A_124 : i32 to vector<16xi32>
    %add3A_125 = arith.addi %broadcast_in_dim3A_31, %add3A : vector<16xi32>
    %gather3A_126 = arith.constant 0 : i32
    %gather3A_127 = arith.constant 0 : i32
    %gather3A_128 = arith.constant 0 : i32
    %gather3A_129 = tpu.memref_slice %arg8[%gather3A_126, %gather3A_127, %gather3A_128] : memref<4x8x128xf32, #tpu.memory_space<vmem>> -> memref<1x8x128xf32, #tpu.memory_space<vmem>>
    %gather3A_130 = tpu.memref_squeeze %gather3A_129 : memref<1x8x128xf32, #tpu.memory_space<vmem>> -> memref<8x128xf32, #tpu.memory_space<vmem>>
    %gather3A_131 = tpu.vector_load_idx %gather3A_130[%broadcast_in_dim3A_31, %add3A_125] : memref<8x128xf32, #tpu.memory_space<vmem>>[vector<16xi32>, vector<16xi32>], vector<16xf32>,
    %eq3A = arith.constant 0 : i32
    %eq3A_132 = vector.broadcast %eq3A : i32 to vector<16xi32>
    %eq3A_133 = arith.cmpi eq, %iota3A, %eq3A_132 : vector<16xi32>
    %select_n3A_134 = arith.select %eq3A_133, %gather3A_131, %broadcast_in_dim3A_108 : vector<16xi1>, vector<16xf32>
    %dma_wait3A_135 = arith.constant 1 : i32
    %dma_wait3A_136 = arith.constant 0 : i32
    %dma_wait3A_137 = arith.constant 0 : i32
    %dma_wait3A_138 = tpu.memref_slice %arg8[%dma_wait3A_135, %dma_wait3A_136, %dma_wait3A_137] : memref<4x8x128xf32, #tpu.memory_space<vmem>> -> memref<1x8x128xf32, #tpu.memory_space<vmem>>
    %dma_wait3A_139 = tpu.memref_squeeze %dma_wait3A_138 : memref<1x8x128xf32, #tpu.memory_space<vmem>> -> memref<8x128xf32, #tpu.memory_space<vmem>>
    %dma_wait3A_140 = arith.constant 0 : i32
    %dma_wait3A_141 = tpu.memref_slice %arg3[%dma_wait3A_140, %multiple_of3A_57] : memref<64x1000000xf32, #tpu.memory_space<hbm>> -> memref<8x128xf32, #tpu.memory_space<hbm>>
    %dma_wait3A_142 = arith.constant 0 : i32
    %dma_wait3A_143 = arith.constant 0 : i32
    %dma_wait3A_144 = tpu.memref_slice %arg8[%dma_wait3A_135, %dma_wait3A_142, %dma_wait3A_143] : memref<4x8x128xf32, #tpu.memory_space<vmem>> -> memref<1x8x128xf32, #tpu.memory_space<vmem>>
    %dma_wait3A_145 = tpu.memref_squeeze %dma_wait3A_144 : memref<1x8x128xf32, #tpu.memory_space<vmem>> -> memref<8x128xf32, #tpu.memory_space<vmem>>
    %dma_wait3A_146 = arith.constant 0 : i32
    %dma_wait3A_147 = tpu.memref_slice %arg3[%dma_wait3A_146, %multiple_of3A_57] : memref<64x1000000xf32, #tpu.memory_space<hbm>> -> memref<8x128xf32, #tpu.memory_space<hbm>>
    tpu.wait_dma2 semaphore(%arg18 : memref<!tpu.dma_semaphore, #tpu.memory_space<semaphore_mem>>) src(%dma_wait3A_147 : memref<8x128xf32, #tpu.memory_space<hbm>>) dst(%dma_wait3A_145 : memref<8x128xf32, #tpu.memory_space<vmem>>)
    %slice3A_148 = vector.extract_strided_slice %gather3A {offsets = [1], sizes = [1], strides = [1]} : vector<16xi32> to vector<1xi32>
    %squeeze3A_149 = vector.extract %slice3A_148[0] : i32 from vector<1xi32>
    %and3A_150 = arith.constant 127 : i32
    %and3A_151 = arith.andi %squeeze3A_149, %and3A_150 : i32
    %add3A_152 = vector.broadcast %and3A_151 : i32 to vector<16xi32>
    %add3A_153 = arith.addi %broadcast_in_dim3A_31, %add3A_152 : vector<16xi32>
    %gather3A_154 = arith.constant 1 : i32
    %gather3A_155 = arith.constant 0 : i32
    %gather3A_156 = arith.constant 0 : i32
    %gather3A_157 = tpu.memref_slice %arg8[%gather3A_154, %gather3A_155, %gather3A_156] : memref<4x8x128xf32, #tpu.memory_space<vmem>> -> memref<1x8x128xf32, #tpu.memory_space<vmem>>
    %gather3A_158 = tpu.memref_squeeze %gather3A_157 : memref<1x8x128xf32, #tpu.memory_space<vmem>> -> memref<8x128xf32, #tpu.memory_space<vmem>>
    %gather3A_159 = tpu.vector_load_idx %gather3A_158[%broadcast_in_dim3A_31, %add3A_153] : memref<8x128xf32, #tpu.memory_space<vmem>>[vector<16xi32>, vector<16xi32>], vector<16xf32>,
    %eq3A_160 = arith.constant 1 : i32
    %eq3A_161 = vector.broadcast %eq3A_160 : i32 to vector<16xi32>
    %eq3A_162 = arith.cmpi eq, %iota3A, %eq3A_161 : vector<16xi32>
    %select_n3A_163 = arith.select %eq3A_162, %gather3A_159, %select_n3A_134 : vector<16xi1>, vector<16xf32>
    %dma_wait3A_164 = arith.constant 2 : i32
    %dma_wait3A_165 = arith.constant 0 : i32
    %dma_wait3A_166 = arith.constant 0 : i32
    %dma_wait3A_167 = tpu.memref_slice %arg8[%dma_wait3A_164, %dma_wait3A_165, %dma_wait3A_166] : memref<4x8x128xf32, #tpu.memory_space<vmem>> -> memref<1x8x128xf32, #tpu.memory_space<vmem>>
    %dma_wait3A_168 = tpu.memref_squeeze %dma_wait3A_167 : memref<1x8x128xf32, #tpu.memory_space<vmem>> -> memref<8x128xf32, #tpu.memory_space<vmem>>
    %dma_wait3A_169 = arith.constant 0 : i32
    %dma_wait3A_170 = tpu.memref_slice %arg3[%dma_wait3A_169, %multiple_of3A_75] : memref<64x1000000xf32, #tpu.memory_space<hbm>> -> memref<8x128xf32, #tpu.memory_space<hbm>>
    %dma_wait3A_171 = arith.constant 0 : i32
    %dma_wait3A_172 = arith.constant 0 : i32
    %dma_wait3A_173 = tpu.memref_slice %arg8[%dma_wait3A_164, %dma_wait3A_171, %dma_wait3A_172] : memref<4x8x128xf32, #tpu.memory_space<vmem>> -> memref<1x8x128xf32, #tpu.memory_space<vmem>>
    %dma_wait3A_174 = tpu.memref_squeeze %dma_wait3A_173 : memref<1x8x128xf32, #tpu.memory_space<vmem>> -> memref<8x128xf32, #tpu.memory_space<vmem>>
    %dma_wait3A_175 = arith.constant 0 : i32
    %dma_wait3A_176 = tpu.memref_slice %arg3[%dma_wait3A_175, %multiple_of3A_75] : memref<64x1000000xf32, #tpu.memory_space<hbm>> -> memref<8x128xf32, #tpu.memory_space<hbm>>
    tpu.wait_dma2 semaphore(%arg18 : memref<!tpu.dma_semaphore, #tpu.memory_space<semaphore_mem>>) src(%dma_wait3A_176 : memref<8x128xf32, #tpu.memory_space<hbm>>) dst(%dma_wait3A_174 : memref<8x128xf32, #tpu.memory_space<vmem>>)
    %slice3A_177 = vector.extract_strided_slice %gather3A {offsets = [2], sizes = [1], strides = [1]} : vector<16xi32> to vector<1xi32>
    %squeeze3A_178 = vector.extract %slice3A_177[0] : i32 from vector<1xi32>
    %and3A_179 = arith.constant 127 : i32
    %and3A_180 = arith.andi %squeeze3A_178, %and3A_179 : i32
    %add3A_181 = vector.broadcast %and3A_180 : i32 to vector<16xi32>
    %add3A_182 = arith.addi %broadcast_in_dim3A_31, %add3A_181 : vector<16xi32>
    %gather3A_183 = arith.constant 2 : i32
    %gather3A_184 = arith.constant 0 : i32
    %gather3A_185 = arith.constant 0 : i32
    %gather3A_186 = tpu.memref_slice %arg8[%gather3A_183, %gather3A_184, %gather3A_185] : memref<4x8x128xf32, #tpu.memory_space<vmem>> -> memref<1x8x128xf32, #tpu.memory_space<vmem>>
    %gather3A_187 = tpu.memref_squeeze %gather3A_186 : memref<1x8x128xf32, #tpu.memory_space<vmem>> -> memref<8x128xf32, #tpu.memory_space<vmem>>
    %gather3A_188 = tpu.vector_load_idx %gather3A_187[%broadcast_in_dim3A_31, %add3A_182] : memref<8x128xf32, #tpu.memory_space<vmem>>[vector<16xi32>, vector<16xi32>], vector<16xf32>,
    %eq3A_189 = arith.constant 2 : i32
    %eq3A_190 = vector.broadcast %eq3A_189 : i32 to vector<16xi32>
    %eq3A_191 = arith.cmpi eq, %iota3A, %eq3A_190 : vector<16xi32>
    %select_n3A_192 = arith.select %eq3A_191, %gather3A_188, %select_n3A_163 : vector<16xi1>, vector<16xf32>
    %dma_wait3A_193 = arith.constant 3 : i32
    %dma_wait3A_194 = arith.constant 0 : i32
    %dma_wait3A_195 = arith.constant 0 : i32
    %dma_wait3A_196 = tpu.memref_slice %arg8[%dma_wait3A_193, %dma_wait3A_194, %dma_wait3A_195] : memref<4x8x128xf32, #tpu.memory_space<vmem>> -> memref<1x8x128xf32, #tpu.memory_space<vmem>>
    %dma_wait3A_197 = tpu.memref_squeeze %dma_wait3A_196 : memref<1x8x128xf32, #tpu.memory_space<vmem>> -> memref<8x128xf32, #tpu.memory_space<vmem>>
    %dma_wait3A_198 = arith.constant 0 : i32
    %dma_wait3A_199 = tpu.memref_slice %arg3[%dma_wait3A_198, %multiple_of3A_93] : memref<64x1000000xf32, #tpu.memory_space<hbm>> -> memref<8x128xf32, #tpu.memory_space<hbm>>
    %dma_wait3A_200 = arith.constant 0 : i32
    %dma_wait3A_201 = arith.constant 0 : i32
    %dma_wait3A_202 = tpu.memref_slice %arg8[%dma_wait3A_193, %dma_wait3A_200, %dma_wait3A_201] : memref<4x8x128xf32, #tpu.memory_space<vmem>> -> memref<1x8x128xf32, #tpu.memory_space<vmem>>
    %dma_wait3A_203 = tpu.memref_squeeze %dma_wait3A_202 : memref<1x8x128xf32, #tpu.memory_space<vmem>> -> memref<8x128xf32, #tpu.memory_space<vmem>>
    %dma_wait3A_204 = arith.constant 0 : i32
    %dma_wait3A_205 = tpu.memref_slice %arg3[%dma_wait3A_204, %multiple_of3A_93] : memref<64x1000000xf32, #tpu.memory_space<hbm>> -> memref<8x128xf32, #tpu.memory_space<hbm>>
    tpu.wait_dma2 semaphore(%arg18 : memref<!tpu.dma_semaphore, #tpu.memory_space<semaphore_mem>>) src(%dma_wait3A_205 : memref<8x128xf32, #tpu.memory_space<hbm>>) dst(%dma_wait3A_203 : memref<8x128xf32, #tpu.memory_space<vmem>>)
    %slice3A_206 = vector.extract_strided_slice %gather3A {offsets = [3], sizes = [1], strides = [1]} : vector<16xi32> to vector<1xi32>
    %squeeze3A_207 = vector.extract %slice3A_206[0] : i32 from vector<1xi32>
    %and3A_208 = arith.constant 127 : i32
    %and3A_209 = arith.andi %squeeze3A_207, %and3A_208 : i32
    %add3A_210 = vector.broadcast %and3A_209 : i32 to vector<16xi32>
    %add3A_211 = arith.addi %broadcast_in_dim3A_31, %add3A_210 : vector<16xi32>
    %gather3A_212 = arith.constant 3 : i32
    %gather3A_213 = arith.constant 0 : i32
    %gather3A_214 = arith.constant 0 : i32
    %gather3A_215 = tpu.memref_slice %arg8[%gather3A_212, %gather3A_213, %gather3A_214] : memref<4x8x128xf32, #tpu.memory_space<vmem>> -> memref<1x8x128xf32, #tpu.memory_space<vmem>>
    %gather3A_216 = tpu.memref_squeeze %gather3A_215 : memref<1x8x128xf32, #tpu.memory_space<vmem>> -> memref<8x128xf32, #tpu.memory_space<vmem>>
    %gather3A_217 = tpu.vector_load_idx %gather3A_216[%broadcast_in_dim3A_31, %add3A_211] : memref<8x128xf32, #tpu.memory_space<vmem>>[vector<16xi32>, vector<16xi32>], vector<16xf32>,
    %eq3A_218 = arith.constant 3 : i32
    %eq3A_219 = vector.broadcast %eq3A_218 : i32 to vector<16xi32>
    %eq3A_220 = arith.cmpi eq, %iota3A, %eq3A_219 : vector<16xi32>
    %select_n3A_221 = arith.select %eq3A_220, %gather3A_217, %select_n3A_192 : vector<16xi1>, vector<16xf32>
    %swap3A = arith.constant 0 : index
    %swap3A_222 = tpu.vector_load %arg11[%swap3A] {strides = array<i32>} : memref<16xf32, #tpu.memory_space<vmem>>, vector<16xf32>,
    tpu.vector_store %arg11[%swap3A], %select_n3A_221 {strides = array<i32>} : memref<16xf32, #tpu.memory_space<vmem>>, vector<16xf32>,
    %mul3A_223 = arith.constant 8 : i32
    %mul3A_224 = arith.muli %mul3A_223, %arg1 : i32
    "tpu.region"() ({
      %run_scoped3A = tpu.sem_alloc : memref<!tpu.dma_semaphore, #tpu.memory_space<semaphore_mem>>
      %dma_start3A_551 = arith.constant 0 : i32
      %dma_start3A_552 = tpu.memref_slice %arg11[%dma_start3A_551] : memref<16xf32, #tpu.memory_space<vmem>> -> memref<8xf32, #tpu.memory_space<vmem>>
      %dma_start3A_553 = tpu.memref_slice %arg15[%mul3A_224] : memref<128xf32, #tpu.memory_space<vmem_shared>> -> memref<8xf32, #tpu.memory_space<vmem_shared>>
      %dma_start3A_554 = tpu.memref_slice %arg15[%mul3A_224] : memref<128xf32, #tpu.memory_space<vmem_shared>> -> memref<8xf32, #tpu.memory_space<vmem_shared>>
      %dma_start3A_555 = arith.constant 0 : i32
      %dma_start3A_556 = tpu.memref_slice %arg11[%dma_start3A_555] : memref<16xf32, #tpu.memory_space<vmem>> -> memref<8xf32, #tpu.memory_space<vmem>>
      tpu.enqueue_dma source(%dma_start3A_556 : memref<8xf32, #tpu.memory_space<vmem>>) target(%dma_start3A_554 : memref<8xf32, #tpu.memory_space<vmem_shared>>) target_semaphore(%run_scoped3A : memref<!tpu.dma_semaphore, #tpu.memory_space<semaphore_mem>>)
      %dma_wait3A_557 = arith.constant 0 : i32
      %dma_wait3A_558 = tpu.memref_slice %arg11[%dma_wait3A_557] : memref<16xf32, #tpu.memory_space<vmem>> -> memref<8xf32, #tpu.memory_space<vmem>>
      %dma_wait3A_559 = tpu.memref_slice %arg15[%mul3A_224] : memref<128xf32, #tpu.memory_space<vmem_shared>> -> memref<8xf32, #tpu.memory_space<vmem_shared>>
      %dma_wait3A_560 = tpu.memref_slice %arg15[%mul3A_224] : memref<128xf32, #tpu.memory_space<vmem_shared>> -> memref<8xf32, #tpu.memory_space<vmem_shared>>
      %dma_wait3A_561 = arith.constant 0 : i32
      %dma_wait3A_562 = tpu.memref_slice %arg11[%dma_wait3A_561] : memref<16xf32, #tpu.memory_space<vmem>> -> memref<8xf32, #tpu.memory_space<vmem>>
      tpu.wait_dma2 semaphore(%run_scoped3A : memref<!tpu.dma_semaphore, #tpu.memory_space<semaphore_mem>>) src(%dma_wait3A_562 : memref<8xf32, #tpu.memory_space<vmem>>) dst(%dma_wait3A_560 : memref<8xf32, #tpu.memory_space<vmem_shared>>)
      tpu.yield
    }) : () -> ()
    %barrier3A = arith.constant 0 : index
    tpu.barrier barrier_id(%barrier3A)
    "tpu.region"() ({
      %run_scoped3A = tpu.sem_alloc : memref<!tpu.dma_semaphore, #tpu.memory_space<semaphore_mem>>
      tpu.enqueue_dma source(%arg15 : memref<128xf32, #tpu.memory_space<vmem_shared>>) target(%arg12 : memref<128xf32, #tpu.memory_space<vmem>>) target_semaphore(%run_scoped3A : memref<!tpu.dma_semaphore, #tpu.memory_space<semaphore_mem>>)
      tpu.wait_dma2 semaphore(%run_scoped3A : memref<!tpu.dma_semaphore, #tpu.memory_space<semaphore_mem>>) src(%arg15 : memref<128xf32, #tpu.memory_space<vmem_shared>>) dst(%arg12 : memref<128xf32, #tpu.memory_space<vmem>>)
      tpu.yield
    }) : () -> ()
    %add3A_225 = arith.constant 0 : i32
    %add3A_226 = vector.broadcast %add3A_225 : i32 to vector<16xi32>
    %add3A_227 = arith.addi %iota3A, %add3A_226 : vector<16xi32>
    %jit3A_228 = arith.constant 4 : i32
    %div3A_229 = vector.broadcast %jit3A_228 : i32 to vector<16xi32>
    %div3A_230 = arith.divsi %add3A_227, %div3A_229 : vector<16xi32>
    %sign3A_231 = arith.constant 0 : i32
    %sign3A_232 = vector.broadcast %sign3A_231 : i32 to vector<16xi32>
    %sign3A_233 = arith.cmpi sgt, %add3A_227, %sign3A_232 : vector<16xi32>
    %sign3A_234 = arith.extui %sign3A_233 : vector<16xi1> to vector<16xi32>
    %sign3A_235 = arith.constant 0 : i32
    %sign3A_236 = vector.broadcast %sign3A_235 : i32 to vector<16xi32>
    %sign3A_237 = arith.cmpi slt, %add3A_227, %sign3A_236 : vector<16xi32>
    %sign3A_238 = arith.extui %sign3A_237 : vector<16xi1> to vector<16xi32>
    %sign3A_239 = arith.subi %sign3A_234, %sign3A_238 : vector<16xi32>
    %sign3A_240 = arith.constant 0 : i32
    %sign3A_241 = arith.cmpi sgt, %jit3A_228, %sign3A_240 : i32
    %sign3A_242 = arith.extui %sign3A_241 : i1 to i32
    %sign3A_243 = arith.constant 0 : i32
    %sign3A_244 = arith.cmpi slt, %jit3A_228, %sign3A_243 : i32
    %sign3A_245 = arith.extui %sign3A_244 : i1 to i32
    %sign3A_246 = arith.subi %sign3A_242, %sign3A_245 : i32
    %ne3A_247 = vector.broadcast %sign3A_246 : i32 to vector<16xi32>
    %ne3A_248 = arith.cmpi ne, %sign3A_239, %ne3A_247 : vector<16xi32>
    %rem3A_249 = vector.broadcast %jit3A_228 : i32 to vector<16xi32>
    %rem3A_250 = arith.remsi %add3A_227, %rem3A_249 : vector<16xi32>
    %ne3A_251 = arith.constant 0 : i32
    %ne3A_252 = vector.broadcast %ne3A_251 : i32 to vector<16xi32>
    %ne3A_253 = arith.cmpi ne, %rem3A_250, %ne3A_252 : vector<16xi32>
    %and3A_254 = arith.andi %ne3A_248, %ne3A_253 : vector<16xi1>
    %sub3A_255 = arith.constant 1 : i32
    %sub3A_256 = vector.broadcast %sub3A_255 : i32 to vector<16xi32>
    %sub3A_257 = arith.subi %div3A_230, %sub3A_256 : vector<16xi32>
    %select_n3A_258 = arith.select %and3A_254, %sub3A_257, %div3A_230 : vector<16xi1>, vector<16xi32>
    %mul3A_259 = arith.constant 8 : i32
    %mul3A_260 = vector.broadcast %mul3A_259 : i32 to vector<16xi32>
    %mul3A_261 = arith.muli %mul3A_260, %select_n3A_258 : vector<16xi32>
    %jit3A_262 = arith.constant 4 : i32
    %eq3A_263 = arith.constant 0 : i32
    %eq3A_264 = arith.cmpi eq, %jit3A_262, %eq3A_263 : i32
    %jit3A_265 = arith.constant 1 : i32
    %select_n3A_266 = arith.select %eq3A_264, %jit3A_265, %jit3A_262 : i32
    %rem3A_267 = vector.broadcast %select_n3A_266 : i32 to vector<16xi32>
    %rem3A_268 = arith.remsi %add3A_227, %rem3A_267 : vector<16xi32>
    %ne3A_269 = arith.constant 0 : i32
    %ne3A_270 = vector.broadcast %ne3A_269 : i32 to vector<16xi32>
    %ne3A_271 = arith.cmpi ne, %rem3A_268, %ne3A_270 : vector<16xi32>
    %lt3A = arith.constant 0 : i32
    %lt3A_272 = vector.broadcast %lt3A : i32 to vector<16xi32>
    %lt3A_273 = arith.cmpi slt, %rem3A_268, %lt3A_272 : vector<16xi32>
    %lt3A_274 = arith.constant 0 : i32
    %lt3A_275 = arith.cmpi slt, %select_n3A_266, %lt3A_274 : i32
    %ne3A_276 = vector.broadcast %lt3A_275 : i1 to vector<16xi1>
    %ne3A_277 = vector.broadcast %ne3A_276 : vector<16xi1> to vector<16xi1>
    %ne3A_278 = arith.xori %lt3A_273, %ne3A_277 : vector<16xi1>
    %and3A_279 = arith.andi %ne3A_278, %ne3A_271 : vector<16xi1>
    %add3A_280 = vector.broadcast %select_n3A_266 : i32 to vector<16xi32>
    %add3A_281 = arith.addi %rem3A_268, %add3A_280 : vector<16xi32>
    %select_n3A_282 = arith.select %and3A_279, %add3A_281, %rem3A_268 : vector<16xi1>, vector<16xi32>
    %add3A_283 = arith.addi %mul3A_261, %select_n3A_282 : vector<16xi32>
    %gather3A_284 = tpu.vector_load_idx %arg12[%add3A_283] : memref<128xf32, #tpu.memory_space<vmem>>[vector<16xi32>], vector<16xf32>,
    %swap3A_285 = arith.constant 0 : index
    %swap3A_286 = tpu.vector_load %arg13[%swap3A_285] {strides = array<i32>} : memref<64xf32, #tpu.memory_space<vmem>>, vector<16xf32>,
    tpu.vector_store %arg13[%swap3A_285], %gather3A_284 {strides = array<i32>} : memref<64xf32, #tpu.memory_space<vmem>>, vector<16xf32>,
    %add3A_287 = arith.constant 16 : i32
    %add3A_288 = vector.broadcast %add3A_287 : i32 to vector<16xi32>
    %add3A_289 = arith.addi %iota3A, %add3A_288 : vector<16xi32>
    %jit3A_290 = arith.constant 4 : i32
    %div3A_291 = vector.broadcast %jit3A_290 : i32 to vector<16xi32>
    %div3A_292 = arith.divsi %add3A_289, %div3A_291 : vector<16xi32>
    %sign3A_293 = arith.constant 0 : i32
    %sign3A_294 = vector.broadcast %sign3A_293 : i32 to vector<16xi32>
    %sign3A_295 = arith.cmpi sgt, %add3A_289, %sign3A_294 : vector<16xi32>
    %sign3A_296 = arith.extui %sign3A_295 : vector<16xi1> to vector<16xi32>
    %sign3A_297 = arith.constant 0 : i32
    %sign3A_298 = vector.broadcast %sign3A_297 : i32 to vector<16xi32>
    %sign3A_299 = arith.cmpi slt, %add3A_289, %sign3A_298 : vector<16xi32>
    %sign3A_300 = arith.extui %sign3A_299 : vector<16xi1> to vector<16xi32>
    %sign3A_301 = arith.subi %sign3A_296, %sign3A_300 : vector<16xi32>
    %sign3A_302 = arith.constant 0 : i32
    %sign3A_303 = arith.cmpi sgt, %jit3A_290, %sign3A_302 : i32
    %sign3A_304 = arith.extui %sign3A_303 : i1 to i32
    %sign3A_305 = arith.constant 0 : i32
    %sign3A_306 = arith.cmpi slt, %jit3A_290, %sign3A_305 : i32
    %sign3A_307 = arith.extui %sign3A_306 : i1 to i32
    %sign3A_308 = arith.subi %sign3A_304, %sign3A_307 : i32
    %ne3A_309 = vector.broadcast %sign3A_308 : i32 to vector<16xi32>
    %ne3A_310 = arith.cmpi ne, %sign3A_301, %ne3A_309 : vector<16xi32>
    %rem3A_311 = vector.broadcast %jit3A_290 : i32 to vector<16xi32>
    %rem3A_312 = arith.remsi %add3A_289, %rem3A_311 : vector<16xi32>
    %ne3A_313 = arith.constant 0 : i32
    %ne3A_314 = vector.broadcast %ne3A_313 : i32 to vector<16xi32>
    %ne3A_315 = arith.cmpi ne, %rem3A_312, %ne3A_314 : vector<16xi32>
    %and3A_316 = arith.andi %ne3A_310, %ne3A_315 : vector<16xi1>
    %sub3A_317 = arith.constant 1 : i32
    %sub3A_318 = vector.broadcast %sub3A_317 : i32 to vector<16xi32>
    %sub3A_319 = arith.subi %div3A_292, %sub3A_318 : vector<16xi32>
    %select_n3A_320 = arith.select %and3A_316, %sub3A_319, %div3A_292 : vector<16xi1>, vector<16xi32>
    %mul3A_321 = arith.constant 8 : i32
    %mul3A_322 = vector.broadcast %mul3A_321 : i32 to vector<16xi32>
    %mul3A_323 = arith.muli %mul3A_322, %select_n3A_320 : vector<16xi32>
    %jit3A_324 = arith.constant 4 : i32
    %eq3A_325 = arith.constant 0 : i32
    %eq3A_326 = arith.cmpi eq, %jit3A_324, %eq3A_325 : i32
    %jit3A_327 = arith.constant 1 : i32
    %select_n3A_328 = arith.select %eq3A_326, %jit3A_327, %jit3A_324 : i32
    %rem3A_329 = vector.broadcast %select_n3A_328 : i32 to vector<16xi32>
    %rem3A_330 = arith.remsi %add3A_289, %rem3A_329 : vector<16xi32>
    %ne3A_331 = arith.constant 0 : i32
    %ne3A_332 = vector.broadcast %ne3A_331 : i32 to vector<16xi32>
    %ne3A_333 = arith.cmpi ne, %rem3A_330, %ne3A_332 : vector<16xi32>
    %lt3A_334 = arith.constant 0 : i32
    %lt3A_335 = vector.broadcast %lt3A_334 : i32 to vector<16xi32>
    %lt3A_336 = arith.cmpi slt, %rem3A_330, %lt3A_335 : vector<16xi32>
    %lt3A_337 = arith.constant 0 : i32
    %lt3A_338 = arith.cmpi slt, %select_n3A_328, %lt3A_337 : i32
    %ne3A_339 = vector.broadcast %lt3A_338 : i1 to vector<16xi1>
    %ne3A_340 = vector.broadcast %ne3A_339 : vector<16xi1> to vector<16xi1>
    %ne3A_341 = arith.xori %lt3A_336, %ne3A_340 : vector<16xi1>
    %and3A_342 = arith.andi %ne3A_341, %ne3A_333 : vector<16xi1>
    %add3A_343 = vector.broadcast %select_n3A_328 : i32 to vector<16xi32>
    %add3A_344 = arith.addi %rem3A_330, %add3A_343 : vector<16xi32>
    %select_n3A_345 = arith.select %and3A_342, %add3A_344, %rem3A_330 : vector<16xi1>, vector<16xi32>
    %add3A_346 = arith.addi %mul3A_323, %select_n3A_345 : vector<16xi32>
    %gather3A_347 = tpu.vector_load_idx %arg12[%add3A_346] : memref<128xf32, #tpu.memory_space<vmem>>[vector<16xi32>], vector<16xf32>,
    %swap3A_348 = arith.constant 16 : index
    %swap3A_349 = tpu.vector_load %arg13[%swap3A_348] {strides = array<i32>} : memref<64xf32, #tpu.memory_space<vmem>>, vector<16xf32>,
    tpu.vector_store %arg13[%swap3A_348], %gather3A_347 {strides = array<i32>} : memref<64xf32, #tpu.memory_space<vmem>>, vector<16xf32>,
    %add3A_350 = arith.constant 32 : i32
    %add3A_351 = vector.broadcast %add3A_350 : i32 to vector<16xi32>
    %add3A_352 = arith.addi %iota3A, %add3A_351 : vector<16xi32>
    %jit3A_353 = arith.constant 4 : i32
    %div3A_354 = vector.broadcast %jit3A_353 : i32 to vector<16xi32>
    %div3A_355 = arith.divsi %add3A_352, %div3A_354 : vector<16xi32>
    %sign3A_356 = arith.constant 0 : i32
    %sign3A_357 = vector.broadcast %sign3A_356 : i32 to vector<16xi32>
    %sign3A_358 = arith.cmpi sgt, %add3A_352, %sign3A_357 : vector<16xi32>
    %sign3A_359 = arith.extui %sign3A_358 : vector<16xi1> to vector<16xi32>
    %sign3A_360 = arith.constant 0 : i32
    %sign3A_361 = vector.broadcast %sign3A_360 : i32 to vector<16xi32>
    %sign3A_362 = arith.cmpi slt, %add3A_352, %sign3A_361 : vector<16xi32>
    %sign3A_363 = arith.extui %sign3A_362 : vector<16xi1> to vector<16xi32>
    %sign3A_364 = arith.subi %sign3A_359, %sign3A_363 : vector<16xi32>
    %sign3A_365 = arith.constant 0 : i32
    %sign3A_366 = arith.cmpi sgt, %jit3A_353, %sign3A_365 : i32
    %sign3A_367 = arith.extui %sign3A_366 : i1 to i32
    %sign3A_368 = arith.constant 0 : i32
    %sign3A_369 = arith.cmpi slt, %jit3A_353, %sign3A_368 : i32
    %sign3A_370 = arith.extui %sign3A_369 : i1 to i32
    %sign3A_371 = arith.subi %sign3A_367, %sign3A_370 : i32
    %ne3A_372 = vector.broadcast %sign3A_371 : i32 to vector<16xi32>
    %ne3A_373 = arith.cmpi ne, %sign3A_364, %ne3A_372 : vector<16xi32>
    %rem3A_374 = vector.broadcast %jit3A_353 : i32 to vector<16xi32>
    %rem3A_375 = arith.remsi %add3A_352, %rem3A_374 : vector<16xi32>
    %ne3A_376 = arith.constant 0 : i32
    %ne3A_377 = vector.broadcast %ne3A_376 : i32 to vector<16xi32>
    %ne3A_378 = arith.cmpi ne, %rem3A_375, %ne3A_377 : vector<16xi32>
    %and3A_379 = arith.andi %ne3A_373, %ne3A_378 : vector<16xi1>
    %sub3A_380 = arith.constant 1 : i32
    %sub3A_381 = vector.broadcast %sub3A_380 : i32 to vector<16xi32>
    %sub3A_382 = arith.subi %div3A_355, %sub3A_381 : vector<16xi32>
    %select_n3A_383 = arith.select %and3A_379, %sub3A_382, %div3A_355 : vector<16xi1>, vector<16xi32>
    %mul3A_384 = arith.constant 8 : i32
    %mul3A_385 = vector.broadcast %mul3A_384 : i32 to vector<16xi32>
    %mul3A_386 = arith.muli %mul3A_385, %select_n3A_383 : vector<16xi32>
    %jit3A_387 = arith.constant 4 : i32
    %eq3A_388 = arith.constant 0 : i32
    %eq3A_389 = arith.cmpi eq, %jit3A_387, %eq3A_388 : i32
    %jit3A_390 = arith.constant 1 : i32
    %select_n3A_391 = arith.select %eq3A_389, %jit3A_390, %jit3A_387 : i32
    %rem3A_392 = vector.broadcast %select_n3A_391 : i32 to vector<16xi32>
    %rem3A_393 = arith.remsi %add3A_352, %rem3A_392 : vector<16xi32>
    %ne3A_394 = arith.constant 0 : i32
    %ne3A_395 = vector.broadcast %ne3A_394 : i32 to vector<16xi32>
    %ne3A_396 = arith.cmpi ne, %rem3A_393, %ne3A_395 : vector<16xi32>
    %lt3A_397 = arith.constant 0 : i32
    %lt3A_398 = vector.broadcast %lt3A_397 : i32 to vector<16xi32>
    %lt3A_399 = arith.cmpi slt, %rem3A_393, %lt3A_398 : vector<16xi32>
    %lt3A_400 = arith.constant 0 : i32
    %lt3A_401 = arith.cmpi slt, %select_n3A_391, %lt3A_400 : i32
    %ne3A_402 = vector.broadcast %lt3A_401 : i1 to vector<16xi1>
    %ne3A_403 = vector.broadcast %ne3A_402 : vector<16xi1> to vector<16xi1>
    %ne3A_404 = arith.xori %lt3A_399, %ne3A_403 : vector<16xi1>
    %and3A_405 = arith.andi %ne3A_404, %ne3A_396 : vector<16xi1>
    %add3A_406 = vector.broadcast %select_n3A_391 : i32 to vector<16xi32>
    %add3A_407 = arith.addi %rem3A_393, %add3A_406 : vector<16xi32>
    %select_n3A_408 = arith.select %and3A_405, %add3A_407, %rem3A_393 : vector<16xi1>, vector<16xi32>
    %add3A_409 = arith.addi %mul3A_386, %select_n3A_408 : vector<16xi32>
    %gather3A_410 = tpu.vector_load_idx %arg12[%add3A_409] : memref<128xf32, #tpu.memory_space<vmem>>[vector<16xi32>], vector<16xf32>,
    %swap3A_411 = arith.constant 32 : index
    %swap3A_412 = tpu.vector_load %arg13[%swap3A_411] {strides = array<i32>} : memref<64xf32, #tpu.memory_space<vmem>>, vector<16xf32>,
    tpu.vector_store %arg13[%swap3A_411], %gather3A_410 {strides = array<i32>} : memref<64xf32, #tpu.memory_space<vmem>>, vector<16xf32>,
    %add3A_413 = arith.constant 48 : i32
    %add3A_414 = vector.broadcast %add3A_413 : i32 to vector<16xi32>
    %add3A_415 = arith.addi %iota3A, %add3A_414 : vector<16xi32>
    %jit3A_416 = arith.constant 4 : i32
    %div3A_417 = vector.broadcast %jit3A_416 : i32 to vector<16xi32>
    %div3A_418 = arith.divsi %add3A_415, %div3A_417 : vector<16xi32>
    %sign3A_419 = arith.constant 0 : i32
    %sign3A_420 = vector.broadcast %sign3A_419 : i32 to vector<16xi32>
    %sign3A_421 = arith.cmpi sgt, %add3A_415, %sign3A_420 : vector<16xi32>
    %sign3A_422 = arith.extui %sign3A_421 : vector<16xi1> to vector<16xi32>
    %sign3A_423 = arith.constant 0 : i32
    %sign3A_424 = vector.broadcast %sign3A_423 : i32 to vector<16xi32>
    %sign3A_425 = arith.cmpi slt, %add3A_415, %sign3A_424 : vector<16xi32>
    %sign3A_426 = arith.extui %sign3A_425 : vector<16xi1> to vector<16xi32>
    %sign3A_427 = arith.subi %sign3A_422, %sign3A_426 : vector<16xi32>
    %sign3A_428 = arith.constant 0 : i32
    %sign3A_429 = arith.cmpi sgt, %jit3A_416, %sign3A_428 : i32
    %sign3A_430 = arith.extui %sign3A_429 : i1 to i32
    %sign3A_431 = arith.constant 0 : i32
    %sign3A_432 = arith.cmpi slt, %jit3A_416, %sign3A_431 : i32
    %sign3A_433 = arith.extui %sign3A_432 : i1 to i32
    %sign3A_434 = arith.subi %sign3A_430, %sign3A_433 : i32
    %ne3A_435 = vector.broadcast %sign3A_434 : i32 to vector<16xi32>
    %ne3A_436 = arith.cmpi ne, %sign3A_427, %ne3A_435 : vector<16xi32>
    %rem3A_437 = vector.broadcast %jit3A_416 : i32 to vector<16xi32>
    %rem3A_438 = arith.remsi %add3A_415, %rem3A_437 : vector<16xi32>
    %ne3A_439 = arith.constant 0 : i32
    %ne3A_440 = vector.broadcast %ne3A_439 : i32 to vector<16xi32>
    %ne3A_441 = arith.cmpi ne, %rem3A_438, %ne3A_440 : vector<16xi32>
    %and3A_442 = arith.andi %ne3A_436, %ne3A_441 : vector<16xi1>
    %sub3A_443 = arith.constant 1 : i32
    %sub3A_444 = vector.broadcast %sub3A_443 : i32 to vector<16xi32>
    %sub3A_445 = arith.subi %div3A_418, %sub3A_444 : vector<16xi32>
    %select_n3A_446 = arith.select %and3A_442, %sub3A_445, %div3A_418 : vector<16xi1>, vector<16xi32>
    %mul3A_447 = arith.constant 8 : i32
    %mul3A_448 = vector.broadcast %mul3A_447 : i32 to vector<16xi32>
    %mul3A_449 = arith.muli %mul3A_448, %select_n3A_446 : vector<16xi32>
    %jit3A_450 = arith.constant 4 : i32
    %eq3A_451 = arith.constant 0 : i32
    %eq3A_452 = arith.cmpi eq, %jit3A_450, %eq3A_451 : i32
    %jit3A_453 = arith.constant 1 : i32
    %select_n3A_454 = arith.select %eq3A_452, %jit3A_453, %jit3A_450 : i32
    %rem3A_455 = vector.broadcast %select_n3A_454 : i32 to vector<16xi32>
    %rem3A_456 = arith.remsi %add3A_415, %rem3A_455 : vector<16xi32>
    %ne3A_457 = arith.constant 0 : i32
    %ne3A_458 = vector.broadcast %ne3A_457 : i32 to vector<16xi32>
    %ne3A_459 = arith.cmpi ne, %rem3A_456, %ne3A_458 : vector<16xi32>
    %lt3A_460 = arith.constant 0 : i32
    %lt3A_461 = vector.broadcast %lt3A_460 : i32 to vector<16xi32>
    %lt3A_462 = arith.cmpi slt, %rem3A_456, %lt3A_461 : vector<16xi32>
    %lt3A_463 = arith.constant 0 : i32
    %lt3A_464 = arith.cmpi slt, %select_n3A_454, %lt3A_463 : i32
    %ne3A_465 = vector.broadcast %lt3A_464 : i1 to vector<16xi1>
    %ne3A_466 = vector.broadcast %ne3A_465 : vector<16xi1> to vector<16xi1>
    %ne3A_467 = arith.xori %lt3A_462, %ne3A_466 : vector<16xi1>
    %and3A_468 = arith.andi %ne3A_467, %ne3A_459 : vector<16xi1>
    %add3A_469 = vector.broadcast %select_n3A_454 : i32 to vector<16xi32>
    %add3A_470 = arith.addi %rem3A_456, %add3A_469 : vector<16xi32>
    %select_n3A_471 = arith.select %and3A_468, %add3A_470, %rem3A_456 : vector<16xi1>, vector<16xi32>
    %add3A_472 = arith.addi %mul3A_449, %select_n3A_471 : vector<16xi32>
    %gather3A_473 = tpu.vector_load_idx %arg12[%add3A_472] : memref<128xf32, #tpu.memory_space<vmem>>[vector<16xi32>], vector<16xf32>,
    %swap3A_474 = arith.constant 48 : index
    %swap3A_475 = tpu.vector_load %arg13[%swap3A_474] {strides = array<i32>} : memref<64xf32, #tpu.memory_space<vmem>>, vector<16xf32>,
    tpu.vector_store %arg13[%swap3A_474], %gather3A_473 {strides = array<i32>} : memref<64xf32, #tpu.memory_space<vmem>>, vector<16xf32>,
    %dma_wait3A_476 = arith.constant 0 : i32
    %dma_wait3A_477 = tpu.memref_slice %arg4[%dma_wait3A_476, %multiple_of3A] : memref<64x1000xf32, #tpu.memory_space<hbm>> -> memref<64x128xf32, #tpu.memory_space<hbm>>
    %dma_wait3A_478 = arith.constant 0 : i32
    %dma_wait3A_479 = tpu.memref_slice %arg4[%dma_wait3A_478, %multiple_of3A] : memref<64x1000xf32, #tpu.memory_space<hbm>> -> memref<64x128xf32, #tpu.memory_space<hbm>>
    tpu.wait_dma2 semaphore(%arg16 : memref<!tpu.dma_semaphore, #tpu.memory_space<semaphore_mem>>) src(%dma_wait3A_479 : memref<64x128xf32, #tpu.memory_space<hbm>>) dst(%arg9 : memref<64x128xf32, #tpu.memory_space<vmem>>)
    %dma_wait3A_480 = arith.constant 0 : i32
    %dma_wait3A_481 = tpu.memref_slice %arg10[%dma_wait3A_480] : memref<1024xf32, #tpu.memory_space<vmem>> -> memref<1000xf32, #tpu.memory_space<vmem>>
    %dma_wait3A_482 = arith.constant 0 : i32
    %dma_wait3A_483 = tpu.memref_slice %arg10[%dma_wait3A_482] : memref<1024xf32, #tpu.memory_space<vmem>> -> memref<1000xf32, #tpu.memory_space<vmem>>
    tpu.wait_dma2 semaphore(%arg17 : memref<!tpu.dma_semaphore, #tpu.memory_space<semaphore_mem>>) src(%arg5 : memref<1000xf32, #tpu.memory_space<hbm>>) dst(%dma_wait3A_483 : memref<1000xf32, #tpu.memory_space<vmem>>)
    %add3A_484 = arith.constant 0 : i32
    %add3A_485 = arith.addi %mul3A_0, %add3A_484 : i32
    %get3A = arith.index_cast %add3A_485 : i32 to index
    %get3A_486 = tpu.vector_load %arg10[%get3A] {strides = array<i32>} : memref<1024xf32, #tpu.memory_space<vmem>>, vector<16xf32>,
    %add3A_487 = arith.constant 16 : i32
    %add3A_488 = arith.addi %mul3A_0, %add3A_487 : i32
    %get3A_489 = arith.index_cast %add3A_488 : i32 to index
    %get3A_490 = tpu.vector_load %arg10[%get3A_489] {strides = array<i32>} : memref<1024xf32, #tpu.memory_space<vmem>>, vector<16xf32>,
    %add3A_491 = arith.constant 32 : i32
    %add3A_492 = arith.addi %mul3A_0, %add3A_491 : i32
    %get3A_493 = arith.index_cast %add3A_492 : i32 to index
    %get3A_494 = tpu.vector_load %arg10[%get3A_493] {strides = array<i32>} : memref<1024xf32, #tpu.memory_space<vmem>>, vector<16xf32>,
    %add3A_495 = arith.constant 48 : i32
    %add3A_496 = arith.addi %mul3A_0, %add3A_495 : i32
    %get3A_497 = arith.index_cast %add3A_496 : i32 to index
    %get3A_498 = tpu.vector_load %arg10[%get3A_497] {strides = array<i32>} : memref<1024xf32, #tpu.memory_space<vmem>>, vector<16xf32>,
    %scan3A = arith.constant 0 : i32
    %scan3A_499 = arith.constant 32 : i32
    %scan3A_500 = arith.addi %scan3A, %scan3A_499 : i32
    %scan3A_501 = arith.constant 1 : i32
    %scan3A_502:4 = scf.for %scan3A_551 = %scan3A to %scan3A_500 step %scan3A_501 iter_args(%scan3A_552 = %get3A_486, %scan3A_553 = %get3A_490, %scan3A_554 = %get3A_494, %scan3A_555 = %get3A_498) -> (vector<16xf32>, vector<16xf32>, vector<16xf32>, vector<16xf32>)  : i32 {
      %mul3A_556 = arith.constant 2 : i32
      %mul3A_557 = arith.muli %scan3A_551, %mul3A_556 : i32
      %add3A_558 = arith.constant 0 : i32
      %add3A_559 = arith.addi %mul3A_557, %add3A_558 : i32
      %add3A_560 = vector.broadcast %add3A_559 : i32 to vector<16xi32>
      %add3A_561 = arith.addi %broadcast_in_dim3A_31, %add3A_560 : vector<16xi32>
      %gather3A_562 = tpu.vector_load_idx %arg13[%add3A_561] : memref<64xf32, #tpu.memory_space<vmem>>[vector<16xi32>], vector<16xf32>,
      %add3A_563 = arith.constant 0 : i32
      %add3A_564 = arith.addi %multiple_of3A_20, %add3A_563 : i32
      %get3A_565 = arith.index_cast %add3A_559 : i32 to index
      %get3A_566 = arith.index_cast %add3A_564 : i32 to index
      %get3A_567 = tpu.vector_load %arg9[%get3A_565, %get3A_566] {strides = array<i32>} : memref<64x128xf32, #tpu.memory_space<vmem>>, vector<16xf32>,
      %mul3A_568 = arith.mulf %gather3A_562, %get3A_567 : vector<16xf32>
      %add3A_569 = arith.addf %scan3A_552, %mul3A_568 : vector<16xf32>
      %add3A_570 = arith.constant 16 : i32
      %add3A_571 = arith.addi %multiple_of3A_20, %add3A_570 : i32
      %get3A_572 = arith.index_cast %add3A_559 : i32 to index
      %get3A_573 = arith.index_cast %add3A_571 : i32 to index
      %get3A_574 = tpu.vector_load %arg9[%get3A_572, %get3A_573] {strides = array<i32>} : memref<64x128xf32, #tpu.memory_space<vmem>>, vector<16xf32>,
      %mul3A_575 = arith.mulf %gather3A_562, %get3A_574 : vector<16xf32>
      %add3A_576 = arith.addf %scan3A_553, %mul3A_575 : vector<16xf32>
      %add3A_577 = arith.constant 32 : i32
      %add3A_578 = arith.addi %multiple_of3A_20, %add3A_577 : i32
      %get3A_579 = arith.index_cast %add3A_559 : i32 to index
      %get3A_580 = arith.index_cast %add3A_578 : i32 to index
      %get3A_581 = tpu.vector_load %arg9[%get3A_579, %get3A_580] {strides = array<i32>} : memref<64x128xf32, #tpu.memory_space<vmem>>, vector<16xf32>,
      %mul3A_582 = arith.mulf %gather3A_562, %get3A_581 : vector<16xf32>
      %add3A_583 = arith.addf %scan3A_554, %mul3A_582 : vector<16xf32>
      %add3A_584 = arith.constant 48 : i32
      %add3A_585 = arith.addi %multiple_of3A_20, %add3A_584 : i32
      %get3A_586 = arith.index_cast %add3A_559 : i32 to index
      %get3A_587 = arith.index_cast %add3A_585 : i32 to index
      %get3A_588 = tpu.vector_load %arg9[%get3A_586, %get3A_587] {strides = array<i32>} : memref<64x128xf32, #tpu.memory_space<vmem>>, vector<16xf32>,
      %mul3A_589 = arith.mulf %gather3A_562, %get3A_588 : vector<16xf32>
      %add3A_590 = arith.addf %scan3A_555, %mul3A_589 : vector<16xf32>
      %mul3A_591 = arith.constant 2 : i32
      %mul3A_592 = arith.muli %scan3A_551, %mul3A_591 : i32
      %add3A_593 = arith.constant 1 : i32
      %add3A_594 = arith.addi %mul3A_592, %add3A_593 : i32
      %add3A_595 = vector.broadcast %add3A_594 : i32 to vector<16xi32>
      %add3A_596 = arith.addi %broadcast_in_dim3A_31, %add3A_595 : vector<16xi32>
      %gather3A_597 = tpu.vector_load_idx %arg13[%add3A_596] : memref<64xf32, #tpu.memory_space<vmem>>[vector<16xi32>], vector<16xf32>,
      %add3A_598 = arith.constant 0 : i32
      %add3A_599 = arith.addi %multiple_of3A_20, %add3A_598 : i32
      %get3A_600 = arith.index_cast %add3A_594 : i32 to index
      %get3A_601 = arith.index_cast %add3A_599 : i32 to index
      %get3A_602 = tpu.vector_load %arg9[%get3A_600, %get3A_601] {strides = array<i32>} : memref<64x128xf32, #tpu.memory_space<vmem>>, vector<16xf32>,
      %mul3A_603 = arith.mulf %gather3A_597, %get3A_602 : vector<16xf32>
      %add3A_604 = arith.addf %add3A_569, %mul3A_603 : vector<16xf32>
      %add3A_605 = arith.constant 16 : i32
      %add3A_606 = arith.addi %multiple_of3A_20, %add3A_605 : i32
      %get3A_607 = arith.index_cast %add3A_594 : i32 to index
      %get3A_608 = arith.index_cast %add3A_606 : i32 to index
      %get3A_609 = tpu.vector_load %arg9[%get3A_607, %get3A_608] {strides = array<i32>} : memref<64x128xf32, #tpu.memory_space<vmem>>, vector<16xf32>,
      %mul3A_610 = arith.mulf %gather3A_597, %get3A_609 : vector<16xf32>
      %add3A_611 = arith.addf %add3A_576, %mul3A_610 : vector<16xf32>
      %add3A_612 = arith.constant 32 : i32
      %add3A_613 = arith.addi %multiple_of3A_20, %add3A_612 : i32
      %get3A_614 = arith.index_cast %add3A_594 : i32 to index
      %get3A_615 = arith.index_cast %add3A_613 : i32 to index
      %get3A_616 = tpu.vector_load %arg9[%get3A_614, %get3A_615] {strides = array<i32>} : memref<64x128xf32, #tpu.memory_space<vmem>>, vector<16xf32>,
      %mul3A_617 = arith.mulf %gather3A_597, %get3A_616 : vector<16xf32>
      %add3A_618 = arith.addf %add3A_583, %mul3A_617 : vector<16xf32>
      %add3A_619 = arith.constant 48 : i32
      %add3A_620 = arith.addi %multiple_of3A_20, %add3A_619 : i32
      %get3A_621 = arith.index_cast %add3A_594 : i32 to index
      %get3A_622 = arith.index_cast %add3A_620 : i32 to index
      %get3A_623 = tpu.vector_load %arg9[%get3A_621, %get3A_622] {strides = array<i32>} : memref<64x128xf32, #tpu.memory_space<vmem>>, vector<16xf32>,
      %mul3A_624 = arith.mulf %gather3A_597, %get3A_623 : vector<16xf32>
      %add3A_625 = arith.addf %add3A_590, %mul3A_624 : vector<16xf32>
      scf.yield %add3A_604, %add3A_611, %add3A_618, %add3A_625 : vector<16xf32>, vector<16xf32>, vector<16xf32>, vector<16xf32>
    }
    %scan3A_503 = arith.constant 32 : i32
    %neg3A = arith.constant 0.000000e+00 : f32
    %neg3A_504 = vector.broadcast %neg3A : f32 to vector<16xf32>
    %neg3A_505 = arith.subf %neg3A_504, %scan3A_502#0 : vector<16xf32>
    %exp3A = math.exp %neg3A_505 : vector<16xf32>
    %add3A_506 = arith.constant 1.000000e+00 : f32
    %add3A_507 = vector.broadcast %add3A_506 : f32 to vector<16xf32>
    %add3A_508 = arith.addf %add3A_507, %exp3A : vector<16xf32>
    %div3A_509 = arith.constant 1.000000e+00 : f32
    %div3A_510 = vector.broadcast %div3A_509 : f32 to vector<16xf32>
    %div3A_511 = arith.divf %div3A_510, %add3A_508 : vector<16xf32>
    %swap3A_512 = arith.constant 0 : index
    %swap3A_513 = tpu.vector_load %arg14[%swap3A_512] {strides = array<i32>} : memref<64xf32, #tpu.memory_space<vmem>>, vector<16xf32>,
    tpu.vector_store %arg14[%swap3A_512], %div3A_511 {strides = array<i32>} : memref<64xf32, #tpu.memory_space<vmem>>, vector<16xf32>,
    %neg3A_514 = arith.constant 0.000000e+00 : f32
    %neg3A_515 = vector.broadcast %neg3A_514 : f32 to vector<16xf32>
    %neg3A_516 = arith.subf %neg3A_515, %scan3A_502#1 : vector<16xf32>
    %exp3A_517 = math.exp %neg3A_516 : vector<16xf32>
    %add3A_518 = arith.constant 1.000000e+00 : f32
    %add3A_519 = vector.broadcast %add3A_518 : f32 to vector<16xf32>
    %add3A_520 = arith.addf %add3A_519, %exp3A_517 : vector<16xf32>
    %div3A_521 = arith.constant 1.000000e+00 : f32
    %div3A_522 = vector.broadcast %div3A_521 : f32 to vector<16xf32>
    %div3A_523 = arith.divf %div3A_522, %add3A_520 : vector<16xf32>
    %swap3A_524 = arith.constant 16 : index
    %swap3A_525 = tpu.vector_load %arg14[%swap3A_524] {strides = array<i32>} : memref<64xf32, #tpu.memory_space<vmem>>, vector<16xf32>,
    tpu.vector_store %arg14[%swap3A_524], %div3A_523 {strides = array<i32>} : memref<64xf32, #tpu.memory_space<vmem>>, vector<16xf32>,
    %neg3A_526 = arith.constant 0.000000e+00 : f32
    %neg3A_527 = vector.broadcast %neg3A_526 : f32 to vector<16xf32>
    %neg3A_528 = arith.subf %neg3A_527, %scan3A_502#2 : vector<16xf32>
    %exp3A_529 = math.exp %neg3A_528 : vector<16xf32>
    %add3A_530 = arith.constant 1.000000e+00 : f32
    %add3A_531 = vector.broadcast %add3A_530 : f32 to vector<16xf32>
    %add3A_532 = arith.addf %add3A_531, %exp3A_529 : vector<16xf32>
    %div3A_533 = arith.constant 1.000000e+00 : f32
    %div3A_534 = vector.broadcast %div3A_533 : f32 to vector<16xf32>
    %div3A_535 = arith.divf %div3A_534, %add3A_532 : vector<16xf32>
    %swap3A_536 = arith.constant 32 : index
    %swap3A_537 = tpu.vector_load %arg14[%swap3A_536] {strides = array<i32>} : memref<64xf32, #tpu.memory_space<vmem>>, vector<16xf32>,
    tpu.vector_store %arg14[%swap3A_536], %div3A_535 {strides = array<i32>} : memref<64xf32, #tpu.memory_space<vmem>>, vector<16xf32>,
    %neg3A_538 = arith.constant 0.000000e+00 : f32
    %neg3A_539 = vector.broadcast %neg3A_538 : f32 to vector<16xf32>
    %neg3A_540 = arith.subf %neg3A_539, %scan3A_502#3 : vector<16xf32>
    %exp3A_541 = math.exp %neg3A_540 : vector<16xf32>
    %add3A_542 = arith.constant 1.000000e+00 : f32
    %add3A_543 = vector.broadcast %add3A_542 : f32 to vector<16xf32>
    %add3A_544 = arith.addf %add3A_543, %exp3A_541 : vector<16xf32>
    %div3A_545 = arith.constant 1.000000e+00 : f32
    %div3A_546 = vector.broadcast %div3A_545 : f32 to vector<16xf32>
    %div3A_547 = arith.divf %div3A_546, %add3A_544 : vector<16xf32>
    %swap3A_548 = arith.constant 48 : index
    %swap3A_549 = tpu.vector_load %arg14[%swap3A_548] {strides = array<i32>} : memref<64xf32, #tpu.memory_space<vmem>>, vector<16xf32>,
    tpu.vector_store %arg14[%swap3A_548], %div3A_547 {strides = array<i32>} : memref<64xf32, #tpu.memory_space<vmem>>, vector<16xf32>,
    %multiple_of3A_550 = tpu.assume_multiple %mul3A_0, 8 : i32
    "tpu.region"() ({
      %run_scoped3A = tpu.sem_alloc : memref<!tpu.dma_semaphore, #tpu.memory_space<semaphore_mem>>
      %dma_start3A_551 = tpu.memref_slice %arg6[%multiple_of3A_550] : memref<1000xf32, #tpu.memory_space<hbm>> -> memref<64xf32, #tpu.memory_space<hbm>>
      %dma_start3A_552 = tpu.memref_slice %arg6[%multiple_of3A_550] : memref<1000xf32, #tpu.memory_space<hbm>> -> memref<64xf32, #tpu.memory_space<hbm>>
      tpu.enqueue_dma source(%arg14 : memref<64xf32, #tpu.memory_space<vmem>>) target(%dma_start3A_552 : memref<64xf32, #tpu.memory_space<hbm>>) target_semaphore(%run_scoped3A : memref<!tpu.dma_semaphore, #tpu.memory_space<semaphore_mem>>)
      %dma_wait3A_553 = tpu.memref_slice %arg6[%multiple_of3A_550] : memref<1000xf32, #tpu.memory_space<hbm>> -> memref<64xf32, #tpu.memory_space<hbm>>
      %dma_wait3A_554 = tpu.memref_slice %arg6[%multiple_of3A_550] : memref<1000xf32, #tpu.memory_space<hbm>> -> memref<64xf32, #tpu.memory_space<hbm>>
      tpu.wait_dma2 semaphore(%run_scoped3A : memref<!tpu.dma_semaphore, #tpu.memory_space<semaphore_mem>>) src(%arg14 : memref<64xf32, #tpu.memory_space<vmem>>) dst(%dma_wait3A_554 : memref<64xf32, #tpu.memory_space<hbm>>)
      tpu.yield
    }) : () -> ()
    return
  }
}

</mosaic_0001>

<sc_bundles>
// kernel: kernel.3.cloned.1.call-start
scs
__scs_entry_jumppad:
0x0: {  	(pc) =	sbr.rel $0x88, $3  }
0x1: {  	(tag) =	ssettag $0x0;
	lr =	simm.s32 $0x1  }
0x2: {  	[smem:$0x3F9D] =	sst lr;
	_ =	strace $0xD0000000  }
0x3: {  	_ = 	snop  }
0x4: {  	_ = 	snop  }
0x5: {  	_ = 	snop  }
0x6: {  	_ = 	snop  }
0x7: {  	_ = 	snop  }
__scs_overlays_trampoline_lowered:
0x8: {  	[smem:$0x3FAC] =	sst s0  }
0x9: {  	[smem:$0x3FAD] =	sst s1  }
0xa: {  	[smem:$0x3FAE] =	sst s2  }
0xb: {  	[smem:$0x3FAF] =	sst s3  }
0xc: {  	[smem:$0x3FB0] =	sst s4  }
0xd: {  	[smem:$0x3FB1] =	sst s5  }
0xe: {  	[smem:$0x3FB2] =	sst s6  }
0xf: {  	[smem:$0x3FB3] =	sst s7  }
0x10: {  	[smem:$0x3FB4] =	sst s8  }
0x11: {  	[smem:$0x3FB5] =	sst s9;
	s0 =	simm.s32 @!p0 $0x0  }
0x12: {  	s1 =	sld [smem:$0x3F9B];
	s0 =	simm.s32 @p0 $0x1  }
0x13: {  	[smem:$0x3FB6] =	sst s0;
	s0 =	simm.s32 @!p1 $0x0  }
0x14: {  	s2 =	sld [smem:$0x3F9A];
	s0 =	simm.s32 @p1 $0x1  }
0x15: {  	[smem:$0x3FB7] =	sst s0;
	s0 =	simm.s32 @!p2 $0x0  }
0x16: {  	s3 =	sld [smem:$0x3FDB];
	s0 =	simm.s32 @p2 $0x1  }
0x17: {  	s4 =	simm.s32 $0x1BF5;
	[smem:$0x3FB9] =	sst s0  }
0x18: {  	s0 =	sld [smem:$0x3F9C];
	_ =	swait.ge [sflag:s4], $0x0  }
0x19: {  	s7 =	sld [smem:$0x3F9D]  }
0x1a: {  	s8 =	sadd.s32 $0xFFFFE003, lr  }
0x1b: {  	s9 =	sadd.s32 $0xFFFFFEF7, lr;
	s5 =	simm.s32 $0xFFFFFFFF;
	p2 =	slt.u32 s8, $0xFFFFF086  }
0x1c: {  	p1 =	slt.u32 s9, $0xF7A;
	s5 =	simm.s32 @!p2 $0x0  }
0x1d: {  	s5 =	simm.s32 @p1 $0x1;
	p0 =	seq.s32 s7, s2  }
0x1e: {  	s7 =	smul.u32 @!p0 $0xF7A, s2;
	p2 =	seq.s32 @!p0 s5, $0x0  }
0x1f: {  	s9 =	smul.u32 $0xF7A, s1;
	s8 =	simm.s32 @!p0 $0x1BF5;
	p2 =	por !p2, p0  }
0x20: {  	[sflag:s8] =	ssyncset.s32 @!p0 $0xFFFFF086;
	s6 =	sadd.s32 @!p0 s3, s7;
	s7 =	simm.s32 @!p0 $0x108  }
0x21: {  	s3 =	sadd.s32 s3, s9;
	s6 =	sadd.s32 @!p0 $0x88, s6;
	s7 =	simm.s32 @p2 $0x1082  }
0x22: {  	[simem:s7], [sflag:s8] =	dma.local @!p0 [hbm:s6], $0xF7A  }
0x23: {  	s9 =	sor.u32 $0xD0000000, s2;
	s6 =	simm.s32 $0x108;
	_ =	swait.ge @!p0 [sflag:s8], $0x0  }
0x24: {  	s3 =	sadd.s32 $0x88, s3;
	s6 =	simm.s32 @!p1 $0x1082;
	[sflag:s4] =	ssyncset.s32 $0xFFFFF086  }
0x25: {  	[simem:s6], [sflag:s4] =	dma.local [hbm:s3], $0xF7A  }
0x26: {  	[smem:$0x3F9D] =	sst s1;
	(tag) =	ssettag s2;
	_ =	strace s9  }
0x27: {  	s1 =	sld [smem:$0x3FAD]  }
0x28: {  	s2 =	sld [smem:$0x3FAE]  }
0x29: {  	s4 =	sld [smem:$0x3FB0]  }
0x2a: {  	p0 =	seq.s32 s5, $0x0;
	s5 =	sld [smem:$0x3FB1]  }
0x2b: {  	s6 =	sld [smem:$0x3FB2]  }
0x2c: {  	s7 =	sld [smem:$0x3FB3]  }
0x2d: {  	s3 =	simm.s32 $0x108;
	s8 =	sld [smem:$0x3FB4]  }
0x2e: {  	s3 =	simm.s32 @!p0 $0x1082;
	s9 =	sld [smem:$0x3FB5]  }
0x2f: {  	lr =	sadd.s32 s0, s3;
	s0 =	sld [smem:$0x3FAC]  }
0x30: {  	s3 =	sld [smem:$0x3FAF]  }
0x31: {  	[smem:$0x3FB8] =	sst s10  }
0x32: {  	s10 =	sld [smem:$0x3FB6];
	_ =	sdelay $0x3  }
0x33: {  	p0 =	seq.s32 s10, $0x1;
	s10 =	sld [smem:$0x3FB8];
	_ =	sdelay $0x3  }
0x34: {  	[smem:$0x3FB8] =	sst s10  }
0x35: {  	s10 =	sld [smem:$0x3FB7];
	_ =	sdelay $0x3  }
0x36: {  	p1 =	seq.s32 s10, $0x1;
	s10 =	sld [smem:$0x3FB8];
	_ =	sdelay $0x3  }
0x37: {  	[smem:$0x3FB8] =	sst s10  }
0x38: {  	s10 =	sld [smem:$0x3FB9]  }
0x39: {  	_ = 	snop;
	(pc) =	sbr.ind lr, $3  }
0x3a: {  	_ = 	snop  }
0x3b: {  	_ = 	snop  }
0x3c: {  	p2 =	seq.s32 s10, $0x1;
	s10 =	sld [smem:$0x3FB8]  }
0x3d: {  	_ =	shalt  }
0x3e: {  	_ =	shalt  }
0x3f: {  	_ =	shalt  }
0x40: {  	_ =	shalt  }
0x41: {  	_ =	shalt  }
0x42: {  	_ =	shalt  }
0x43: {  	_ =	shalt  }
0x44: {  	_ =	shalt  }
0x45: {  	_ =	shalt  }
0x46: {  	_ =	shalt  }
0x47: {  	_ =	shalt  }
0x48: {  	_ =	shalt  }
0x49: {  	_ =	shalt  }
0x4a: {  	_ =	shalt  }
0x4b: {  	_ =	shalt  }
0x4c: {  	_ =	shalt  }
0x4d: {  	_ =	shalt  }
0x4e: {  	_ =	shalt  }
0x4f: {  	_ =	shalt  }
0x50: {  	_ =	shalt  }
0x51: {  	_ =	shalt  }
0x52: {  	_ =	shalt  }
0x53: {  	_ =	shalt  }
0x54: {  	_ =	shalt  }
0x55: {  	_ =	shalt  }
0x56: {  	_ =	shalt  }
0x57: {  	_ =	shalt  }
0x58: {  	_ =	shalt  }
0x59: {  	_ =	shalt  }
0x5a: {  	_ =	shalt  }
0x5b: {  	_ =	shalt  }
0x5c: {  	_ =	shalt  }
0x5d: {  	_ =	shalt  }
0x5e: {  	_ =	shalt  }
0x5f: {  	_ =	shalt  }
0x60: {  	_ =	shalt  }
0x61: {  	_ =	shalt  }
0x62: {  	_ =	shalt  }
0x63: {  	_ =	shalt  }
0x64: {  	_ =	shalt  }
0x65: {  	_ =	shalt  }
0x66: {  	_ =	shalt  }
0x67: {  	_ =	shalt  }
0x68: {  	_ =	shalt  }
0x69: {  	_ =	shalt  }
0x6a: {  	_ =	shalt  }
0x6b: {  	_ =	shalt  }
0x6c: {  	_ =	shalt  }
0x6d: {  	_ =	shalt  }
0x6e: {  	_ =	shalt  }
0x6f: {  	_ =	shalt  }
0x70: {  	_ =	shalt  }
0x71: {  	_ =	shalt  }
0x72: {  	_ =	shalt  }
0x73: {  	_ =	shalt  }
0x74: {  	_ =	shalt  }
0x75: {  	_ =	shalt  }
0x76: {  	_ =	shalt  }
0x77: {  	_ =	shalt  }
0x78: {  	_ =	shalt  }
0x79: {  	_ =	shalt  }
0x7a: {  	_ =	shalt  }
0x7b: {  	_ =	shalt  }
0x7c: {  	_ =	shalt  }
0x7d: {  	_ =	shalt  }
0x7e: {  	_ =	shalt  }
0x7f: {  	_ =	shalt  }
0x80: {  	_ =	shalt  }
0x81: {  	_ =	shalt  }
0x82: {  	_ =	shalt  }
0x83: {  	_ =	shalt  }
0x84: {  	_ =	shalt  }
0x85: {  	_ =	shalt  }
0x86: {  	_ =	shalt  }
0x87: {  	_ =	shalt  }
.Lfunc_end0:
.L_simem_size_0:
called_computation_lowered:
.L_overlay_start_0:
0x88: {  	s0 =	sld [smem:$0x3FD9]  }
0x89: {  	s1 =	sld [smem:$0x3FFE];
	_ =	sdelay $0x3  }
0x8a: {  	s0 =	sadd.s32 s1, s0  }
0x8b: {  	[smem:$0x3FC4] =	sst s0  }
0x8c: {  	_ = 	snop  }
0x8d: {  	s0 =	sld [smem:$0x3FC9]  }
0x8e: {  	s17 =	sld [smem:$0x3FC8]  }
0x8f: {  	s2 =	sld [smem:$0x3FC7]  }
0x90: {  	s3 =	sld [smem:$0x3FC6]  }
0x91: {  	s4 =	sld [smem:$0x3FD0];
	(tm) =	ssettm $0x1  }
0x92: {  	s5 =	sld [smem:$0x3FFB];
	_ =	sdelay $0x3  }
0x93: {  	_ =	strace s5  }
0x94: {  	s5 =	sld [smem:$0x3FFC];
	_ =	sdelay $0x3  }
0x95: {  	_ =	strace s5  }
0x96: {  	s5 =	sld [smem:$0x3FFD];
	_ =	sdelay $0x3  }
0x97: {  	_ =	strace s5  }
0x98: {  	_ =	strace $0x8FFFFFFF  }
0x99: {  	s18 =	sld [smem:$0x3FDB];
	_ =	sdelay $0x1  }
0x9a: {  	s6 =	simm.s32 $_scs_section_size  }
0x9b: {  	s7 =	simm.s32 $_size__tile_overlayer_lowered;
	s8 =	simm.s32 $_tile_overlayer_lowered  }
0x9c: {  	s21 =	simm.s32 $0x1BFF;
	s20 =	sshll.u32 s8, $0x1;
	s5 =	sadd.s32 s6, s18  }
0x9d: {  	s9 =	simm.s32 $0x0;
	s19 =	sshll.u32 s7, $0x1;
	s7 =	sadd.s32 s20, s5  }
0x9e: {  	[timem:s9], [sflag:s21] =	dma.local [hbm:s7], s19  }
0x9f: {  	_ =	swait.ge [sflag:s21], s19  }
0xa0: {  	s6 =	ssub.s32 $0x0, s19;
	[sflag:s21] =	ssyncset.done $0x0  }
0xa1: {  	[sflag:s21] =	ssyncadd.s32 s6;
	_ =	sdelay $0x1  }
0xa2: {  	s22 =	simm.s32 $0x1B8B  }
0xa3: {  	_ =	swait.ge [sflag:s22], $0x1  }
0xa4: {  	[sflag:s22] =	ssyncset.done $0x0  }
0xa5: {  	s23 =	simm.s32 $0x1B8E;
	[sflag:s22] =	ssyncadd.s32 $0xFFFFFFFF  }
0xa6: {  	s24 =	simm.s32 $execute0_lowered;
	[smem:$0x3FD2] =	sst s23  }
0xa7: {  	s6 =	sshll.u32 s24, $0x1;
	_ =	strace $0x80000046;
	[dreg:$0x1] =	wrdreg $0xFFFFFFFF  }
0xa8: {  	s25 =	simm.s32 $_size_execute0_lowered;
	s5 =	sadd.s32 s5, s6;
	[dreg:$0x0] =	wrdreg $0x0  }
0xa9: {  	s6 =	sshll.u32 s25, $0x1;
	[dreg:$0x2] =	wrdreg s5  }
0xaa: {  	[dreg:$0x3] =	wrdreg s6  }
0xab: {  	[dreg:$0x4] =	wrdreg $0xC0  }
0xac: {  	_ =	task [dreg:s9], $0x5FFFF  }
0xad: {  	[dreg:$0x1] =	wrdreg $0xFFFFFFFF  }
0xae: {  	[dreg:$0x0] =	wrdreg $0x60  }
0xaf: {  	[dreg:$0x2] =	wrdreg s0  }
0xb0: {  	[dreg:$0x3] =	wrdreg s17  }
0xb1: {  	[dreg:$0x4] =	wrdreg s2  }
0xb2: {  	[dreg:$0x5] =	wrdreg s3  }
0xb3: {  	[dreg:$0x6] =	wrdreg s4  }
0xb4: {  	[dreg:$0x7] =	wrdreg $0x3A000  }
0xb5: {  	[dreg:$0x8] =	wrdreg $0x9  }
0xb6: {  	_ =	task.clear_ibuf [dreg:s9], $0x9FFFF;
	_ =	strace $0x90000046  }
0xb7: {  	s26 =	simm.s32 $0x9;
	_ =	strace $0x80000048  }
0xb8: {  	_ =	swait.ge [sflag:s26], $0x1  }
0xb9: {  	[sflag:s26] =	ssyncadd.s32 $0xFFFFFFFF  }
0xba: {  	_ =	strace $0x90000048  }
0xbb: {  	_ =	sfence  }
0xbc: {  	s28 =	sld [smem:$0x0];
	_ =	sdelay $0x1  }
0xbd: {  	s29 =	srdreg.scid  }
0xbe: {  	s30 =	sshll.u32 s29, $0xD;
	s31 =	sshrl.u32 s29, $0x2  }
0xbf: {  	s1 =	sand.u32 $0x1, s29;
	s2 =	sand.u32 $0x4000, s30;
	s0 =	sadd.s32 s31, s28  }
0xc0: {  	s1 =	sor.u32 s2, s1;
	s0 =	sshll.u32 s0, $0x11  }
0xc1: {  	s0 =	sor.u32 s0, s1  }
0xc2: {  	s0 =	sadd.s32 $0x8F2B, s0  }
0xc3: {  	[sflag:s0] =	ssyncadd.remote.s32 $0x1  }
0xc4: {  	_ =	sfence.sel $0xFFFF  }
0xc5: {  	[dreg:$0x0] =	wrdreg $0xFFFFFFFF;
	(pc) =	sbr.abs _section_cstart, $3  }
0xc6: {  	[dreg:$0x1] =	wrdreg $0xFFFFFFFF  }
0xc7: {  	_ =	task.clear_ibuf [dreg:s9], $0x2FFFF;
	_ =	strace $0x9FFFFFFF  }
0xc8: {  	(tm) =	ssettm $0x7FFFFFFF  }
0xc9: {  	_ =	shalt  }
tec
execute0_lowered:
.L_overlay_start_1:
0x0: {  	(tag) =	ssettag $0x1  }
0x1: {  	s3 =	rddreg [dreg:$0x0]  }
0x2: {  	s8 =	rddreg [dreg:$0x1]  }
0x3: {  	s7 =	rddreg [dreg:$0x2]  }
0x4: {  	s9 =	rddreg [dreg:$0x3]  }
0x5: {  	s2 =	rddreg [dreg:$0x4]  }
0x6: {  	s6 =	rddreg [dreg:$0x5]  }
0x7: {  	s1 =	stileid.u32;
	s0 =	rddreg [dreg:$0x6]  }
0x8: {  	s5 =	simm.s32 $0x0;
	s22 =	simm.s32 $0x400;
	s4 =	sshll.u32 s1, $0x6  }
0x9: {  	s11 =	simm.s32 $0x2000;
	[smem:$0x7FF] =	sst s5;
	s10 =	sand.u32 $0x380, s4  }
0xa: {  	s12 =	simm.s32 $0x1400;
	_ =	strace $0x80000047;
	s7 =	sadd.s32 s7, s10  }
0xb: {  	v0 =	vimm.s32 $0x300;
	vm0 =	vcmask $0x300;
	[tilespmem:s12], [sflag:$0x1] =	stream.strided.gather [hbm4b:s7+s22], $0x2000, s11, s22, $0x38;
	[tilespmem:$0x3A08] =	vst v63  }
0xc: {  	s24 =	simm.s32 $0x3400;
	vm9 =	vcmask $0x704;
	s23 =	sshll.u32 s1, $0x7;
	v0 =	vsel vm0, $0x0, v0  }
0xd: {  	vm10 =	vcmask $0xB08;
	v0 =	vsel vm9, $0x100, v0;
	[tilespmem:s24], [sflag:$0x2] =	stream.linear.gather [hbm4b:s9+s5], $0x3E8, $0x38;
	[tilespmem:$0x3A08] =	vst v63  }
0xe: {  	s25 =	simm.s32 $0x4;
	s3 =	sadd.s32 s3, s23;
	v0 =	vsel vm10, $0x200, v0  }
0xf: {  	[tilespmem:s5], [sflag:$0x4] =	stream.linear.gather [hbm4b:s3+s5], $0x400, $0x38;
	[tilespmem:$0x3A08] =	vst v63  }
0x10: {  	_ =	swait.ge [sflag:s25], $0x400  }
0x11: {  	[sflag:s25] =	ssyncset.done $0x0  }
0x12: {  	[sflag:s25] =	ssyncadd.s32 $0xFFFFFC00  }
0x13: {  	v0 =	vld.idx.msk [tilespmem:v0+s5+$0x0], $0xffff;
	_ =	sdelay $0x4  }
0x14: {  	(v2sf) =	vpush v0, $0x0  }
0x15: {  	(v2sf) =	vpush v0, $0x1  }
0x16: {  	(v2sf) =	vpush v0, $0x2;
	_ =	sdelay $0x1  }
0x17: {  	(v2sf) =	vpush v0, $0x3;
	_ =	sdelay $0xa  }
0x18: {  	s13 =	simm.s32 $0x800;
	s26 =	spop (v2sf)  }
0x19: {  	s14 =	simm.s32 $0xC00;
	s28 =	sand.u32 $0xFFFFF80, s26;
	s29 =	spop (v2sf)  }
0x1a: {  	s9 =	sadd.s32 s8, s28;
	s30 =	sand.u32 $0xFFFFF80, s29;
	s31 =	spop (v2sf)  }
0x1b: {  	[tilespmem:s22], [sflag:$0x3] =	stream.linear.gather [hbm4b:s9+s5], $0x400, $0x38;
	[tilespmem:$0x3A08] =	vst v63  }
0x1c: {  	s9 =	sadd.s32 s8, s30;
	s15 =	sand.u32 $0xFFFFF80, s31;
	s16 =	spop (v2sf)  }
0x1d: {  	[tilespmem:s13], [sflag:$0x3] =	stream.linear.gather [hbm4b:s9+s5], $0x400, $0x38;
	[tilespmem:$0x3A08] =	vst v63  }
0x1e: {  	s3 =	sand.u32 $0x7F, s26;
	s9 =	sadd.s32 s8, s15;
	s15 =	sand.u32 $0xFFFFF80, s16  }
0x1f: {  	[tilespmem:s14], [sflag:$0x3] =	stream.linear.gather [hbm4b:s9+s5], $0x400, $0x38;
	[tilespmem:$0x3A08] =	vst v63  }
0x20: {  	s17 =	simm.s32 $0x1000;
	s18 =	simm.s32 $0x3;
	v0 =	vmov s3;
	s8 =	sadd.s32 s8, s15  }
0x21: {  	[tilespmem:s17], [sflag:$0x3] =	stream.linear.gather [hbm4b:s8+s5], $0x400, $0x38;
	[tilespmem:$0x3A08] =	vst v63  }
0x22: {  	s19 =	sand.u32 $0x7F, s29;
	_ =	swait.ge [sflag:s18], $0x400  }
0x23: {  	v1 =	vmov s19;
	[sflag:s18] =	ssyncset.done $0x0  }
0x24: {  	[sflag:s18] =	ssyncadd.s32 $0xFFFFFC00  }
0x25: {  	s20 =	sand.u32 $0x7F, s31;
	v0 =	vld.idx.msk [tilespmem:v0+s22+$0x0], $0xffff;
	_ =	swait.ge [sflag:s18], $0x400  }
0x26: {  	v2 =	vmov s20;
	[sflag:s18] =	ssyncset.done $0x0  }
0x27: {  	[sflag:s18] =	ssyncadd.s32 $0xFFFFFC00  }
0x28: {  	s21 =	sand.u32 $0x7F, s16;
	v1 =	vld.idx.msk [tilespmem:v1+s13+$0x0], $0xffff;
	_ =	swait.ge [sflag:s18], $0x400  }
0x29: {  	v3 =	vmov s21;
	[sflag:s18] =	ssyncset.done $0x0  }
0x2a: {  	[sflag:s18] =	ssyncadd.s32 $0xFFFFFC00  }
0x2b: {  	v2 =	vld.idx.msk [tilespmem:v2+s14+$0x0], $0xffff;
	_ =	swait.ge [sflag:s18], $0x400  }
0x2c: {  	[sflag:s18] =	ssyncset.done $0x0  }
0x2d: {  	[sflag:s18] =	ssyncadd.s32 $0xFFFFFC00  }
0x2e: {  	v3 =	vld.idx.msk [tilespmem:v3+s17+$0x0], $0xffff  }
0x2f: {  	vm11 =	vmmov $0x1  }
0x30: {  	vm12 =	vcmask $0x310;
	v0 =	vnsel vm11, $0x0, v0  }
0x31: {  	vm13 =	vcmask $0x710;
	v0 =	vsel vm12, v0, v1  }
0x32: {  	vm14 =	vcmask $0xB10;
	v0 =	vsel vm13, v0, v2  }
0x33: {  	v1 =	vimm.s32 $0xBA983210;
	v0 =	vsel vm14, v0, v3  }
0x34: {  	s3 =	sshll.u32 s1, $0x3;
	[tilespmem:$0x3800] =	vst v0;
	v0 =	vunpack.c.l.s4.s8 v1  }
0x35: {  	s23 =	simm.s32 $0x3800;
	s22 =	sadd.s32 s3, s6;
	v2 =	vimm.s32 $0x1B1A1918;
	v1 =	vimm.s32 $0x13121110  }
0x36: {  	v2 =	vunpack.c.0.s8.s32 v2;
	[spmem:s22] =	stream.linear.scatter [tilespmem:s23], [sflag:$0x4], $0x8, $0x38;
	v1 =	vunpack.c.0.s8.s32 v1;
	v0 =	vunpack.c.0.s8.s32 v0;
	[tilespmem:$0x3A08] =	vst v63  }
0x37: {  	vm15 =	vcmask $0x1F10;
	_ =	swait.ge [sflag:s25], $0x8  }
0x38: {  	[sflag:s25] =	ssyncset.done $0x0;
	v1 =	vsel vm15, v2, v1;
	v0 =	vand.u32 $0xF, v0  }
0x39: {  	[sflag:s25] =	ssyncadd.s32 $0xFFFFFFF8;
	v0 =	vcombine.low v0, v1  }
0x3a: {  	v4 =	vimm.s32 $0x2B2A2928;
	s24 =	simm.s32 $0x3880;
	v3 =	vimm.s32 $0x23222120;
	[bflag:$0x0] =	sbarrier.arrive $0xFFFF  }
0x3b: {  	v4 =	vunpack.c.0.s8.s32 v4;
	v2 =	vimm.s32 $0x3B3A3938;
	v1 =	vimm.s32 $0x33323130;
	[tilespmem:s24], [sflag:$0x4] =	stream.linear.gather [spmem:s6], $0x80, $0x38;
	[tilespmem:$0x3A08] =	vst v63  }
0x3c: {  	v3 =	vunpack.c.0.s8.s32 v3;
	v2 =	vunpack.c.0.s8.s32 v2;
	v1 =	vunpack.c.0.s8.s32 v1;
	_ =	swait.ge [sflag:s25], $0x80  }
0x3d: {  	[sflag:s25] =	ssyncset.done $0x0  }
0x3e: {  	v1 =	vsel vm15, v2, v1;
	v2 =	vsel vm15, v4, v3;
	[sflag:s25] =	ssyncadd.s32 $0xFFFFFF80  }
0x3f: {  	v5 =	vimm.s32 $0x4B4A4948;
	v1 =	vcombine.low v2, v1;
	v0 =	vld.idx.msk [tilespmem:v0+s24+$0x0], $0xffff  }
0x40: {  	v5 =	vunpack.c.0.s8.s32 v5  }
0x41: {  	v3 =	vimm.s32 $0x5B5A5958;
	v4 =	vimm.s32 $0x43424140;
	v2 =	vimm.s32 $0x53525150  }
0x42: {  	v3 =	vunpack.c.0.s8.s32 v3;
	v4 =	vunpack.c.0.s8.s32 v4;
	v2 =	vunpack.c.0.s8.s32 v2;
	_ =	sdelay $0x1  }
0x43: {  	[tilespmem:$0x3900] =	vst v0;
	v0 =	vsel vm15, v3, v2;
	v2 =	vsel vm15, v5, v4  }
0x44: {  	v1 =	vld.idx.msk [tilespmem:v1+s24+$0x0], $0xffff;
	v0 =	vcombine.low v2, v0  }
0x45: {  	v3 =	vimm.s32 $0x7B7A7978;
	v4 =	vimm.s32 $0x63626160  }
0x46: {  	v5 =	vimm.s32 $0x6B6A6968;
	v2 =	vimm.s32 $0x73727170;
	v3 =	vunpack.c.0.s8.s32 v3  }
0x47: {  	v4 =	vunpack.c.0.s8.s32 v4;
	v5 =	vunpack.c.0.s8.s32 v5;
	v2 =	vunpack.c.0.s8.s32 v2;
	_ =	sdelay $0x1  }
0x48: {  	[tilespmem:$0x3910] =	vst v1;
	v1 =	vsel vm15, v3, v2;
	v2 =	vsel vm15, v5, v4  }
0x49: {  	v0 =	vld.idx.msk [tilespmem:v0+s24+$0x0], $0xffff;
	v1 =	vcombine.low v2, v1;
	_ =	sdelay $0x4  }
0x4a: {  	[tilespmem:$0x3920] =	vst v0  }
0x4b: {  	v0 =	vld.idx.msk [tilespmem:v1+s24+$0x0], $0xffff;
	_ =	sdelay $0x4  }
0x4c: {  	s25 =	simm.s32 $0x1;
	[tilespmem:$0x3930] =	vst v0  }
0x4d: {  	_ =	swait.ge [sflag:s25], $0x2000  }
0x4e: {  	[sflag:s25] =	ssyncset.done $0x0  }
0x4f: {  	s26 =	simm.s32 $0x2;
	[sflag:s25] =	ssyncadd.s32 $0xFFFFE000  }
0x50: {  	v0 =	vmov s5;
	_ =	swait.ge [sflag:s26], $0x3E8  }
0x51: {  	s30 =	simm.s32 $0x1;
	v0 =	vand.u32 $0xFFFFFFFE, v0;
	[sflag:s26] =	ssyncset.done $0x0  }
0x52: {  	v3 =	vbroadcast v0, $0x0;
	v0 =	vmov s30;
	[sflag:s26] =	ssyncadd.s32 $0xFFFFFC18  }
0x53: {  	v7 =	vld [tilespmem:s4+$0x3400]  }
0x54: {  	v4 =	vld [tilespmem:s4+$0x3410]  }
0x55: {  	s28 =	sand.u32 $0x1, s1;
	v2 =	vld [tilespmem:s4+$0x3420]  }
0x56: {  	s29 =	sshll.u32 s28, $0x6;
	s5 =	simm.s32 $0x3900;
	v1 =	vld [tilespmem:s4+$0x3430]  }
0x57: {  	s4 =	sor.u32 $0x1480, s29;
	v0 =	vld.idx.msk [tilespmem:v0+s5+$0x0], $0xffff  }
0x58: {  	v10 =	vld [tilespmem:s4+$0x0]  }
0x59: {  	v6 =	vld [tilespmem:s4+$0x10]  }
0x5a: {  	v12 =	vld [tilespmem:s4+$0xFFFFFF80]  }
0x5b: {  	v8 =	vld [tilespmem:s4+$0xFFFFFF90]  }
0x5c: {  	v3 =	vld.idx.msk [tilespmem:v3+s5+$0x0], $0xffff  }
0x5d: {  	s31 =	simm.s32 $0x2;
	v9 =	vld [tilespmem:s4+$0xFFFFFFA0]  }
0x5e: {  	v11 =	vmov s31;
	v5 =	vld [tilespmem:s4+$0xFFFFFFB0]  }
0x5f: {  	s7 =	simm.s32 $0x3;
	v13 =	vand.u32 $0xFFFFFFFE, v11;
	s6 =	simm.s32 $0x4;
	v11 =	vld [tilespmem:s4+$0x20]  }
.LBB2_1:
0x60: {  	p0 =	sne.s32 s6, $0x3E;
	v13 =	vbroadcast v13, $0x0;
	v14 =	vmov s7;
	v15 =	vld [tilespmem:s4+$0x30];
	s4 =	sadd.s32 $0x100, s4  }
0x61: {  	v16 =	vmul.f32 v10, v0;
	v17 =	vmul.f32 v6, v0;
	v10 =	vld [tilespmem:s4+$0x0]  }
0x62: {  	v18 =	vmul.f32 v12, v3;
	v19 =	vmul.f32 v8, v3;
	v6 =	vld [tilespmem:s4+$0x10]  }
0x63: {  	v9 =	vmul.f32 v9, v3;
	v12 =	vld [tilespmem:s4+$0xFFFFFF80];
	v3 =	vmul.f32 v5, v3  }
0x64: {  	v5 =	vadd.f32 v18, v7;
	v4 =	vadd.f32 v19, v4;
	v8 =	vld [tilespmem:s4+$0xFFFFFF90];
	v11 =	vmul.f32 v11, v0  }
.Ltmp0:
0x65: {  	v2 =	vadd.f32 v9, v2;
	v1 =	vadd.f32 v3, v1;
	v15 =	vmul.f32 v15, v0;
	v0 =	vld.idx.msk [tilespmem:v14+s5+$0x0], $0xffff;
	(pc) =	sbr.rel @p0 .LBB2_1-.Ltmp0, $4  }
0x66: {  	v7 =	vadd.f32 v16, v5;
	v4 =	vadd.f32 v17, v4;
	v3 =	vld.idx.msk [tilespmem:v13+s5+$0x0], $0xffff  }
0x67: {  	v2 =	vadd.f32 v11, v2;
	v9 =	vld [tilespmem:s4+$0xFFFFFFA0];
	v1 =	vadd.f32 v15, v1  }
0x68: {  	v11 =	vmov s6;
	v5 =	vld [tilespmem:s4+$0xFFFFFFB0]  }
0x69: {  	s7 =	sadd.s32 $0x1, s6;
	s6 =	sadd.s32 $0x2, s6;
	v13 =	vand.u32 $0xFFFFFFFE, v11;
	v11 =	vld [tilespmem:s4+$0x20]  }
0x6a: {  	v13 =	vbroadcast v13, $0x0;
	_ =	sdelay $0x2  }
0x6b: {  	v14 =	vmov s7  }
0x6c: {  	s6 =	sadd.s32 $0x100, s4  }
0x6d: {  	v15 =	vld [tilespmem:s6+$0xFFFFFF80]  }
0x6e: {  	v13 =	vld.idx.msk [tilespmem:v13+s5+$0x0], $0xffff  }
0x6f: {  	v16 =	vld [tilespmem:s6+$0x0];
	v12 =	vmul.f32 v12, v3  }
0x70: {  	v14 =	vld.idx.msk [tilespmem:v14+s5+$0x0], $0xffff  }
0x71: {  	v10 =	vmul.f32 v10, v0;
	v7 =	vadd.f32 v12, v7;
	_ =	sdelay $0x1  }
0x72: {  	v7 =	vadd.f32 v10, v7;
	v39 =	vmul.f32 v15, v13;
	_ =	sdelay $0x1  }
0x73: {  	v40 =	vmul.f32 v16, v14;
	v7 =	vadd.f32 v39, v7;
	_ =	sdelay $0x1  }
0x74: {  	v7 =	vadd.f32 v40, v7;
	_ =	sdelay $0x1  }
0x75: {  	v7 =	vsub.f32 $0.0e+00, v7;
	_ =	sdelay $0x1  }
0x76: {  	v41 =	vld [tilespmem:s6+$0xFFFFFF90];
	v7 =	vmul.f32 $1.442695020e+00, v7  }
0x77: {  	v8 =	vmul.f32 v8, v3  }
0x78: {  	v42 =	vld [tilespmem:s6+$0x10];
	(erf) = vpow2.f32 v7  }
0x79: {  	v6 =	vmul.f32 v6, v0;
	v4 =	vadd.f32 v8, v4;
	_ =	sdelay $0x1  }
0x7a: {  	v4 =	vadd.f32 v6, v4;
	v43 =	vmul.f32 v41, v13;
	_ =	sdelay $0x1  }
0x7b: {  	v44 =	vmul.f32 v42, v14;
	v4 =	vadd.f32 v43, v4;
	_ =	sdelay $0x1  }
0x7c: {  	v4 =	vadd.f32 v44, v4;
	_ =	sdelay $0x1  }
0x7d: {  	v4 =	vsub.f32 $0.0e+00, v4;
	v45 =	vpop (erf)  }
0x7e: {  	v6 =	vadd.f32 $1.000000000e+00, v45  }
0x7f: {  	v46 =	vld [tilespmem:s6+$0xFFFFFFA0];
	v4 =	vmul.f32 $1.442695020e+00, v4  }
0x80: {  	v47 =	vmul.f32 v9, v3;
	(erf) = vrcp.f32 v6  }
0x81: {  	v48 =	vld [tilespmem:s6+$0x20];
	(erf) = vpow2.f32 v4  }
0x82: {  	v49 =	vmul.f32 v11, v0;
	v2 =	vadd.f32 v47, v2;
	_ =	sdelay $0x1  }
0x83: {  	v2 =	vadd.f32 v49, v2;
	v50 =	vmul.f32 v46, v13;
	_ =	sdelay $0x1  }
0x84: {  	v2 =	vadd.f32 v50, v2;
	v6 =	vmul.f32 v48, v14;
	_ =	sdelay $0x1  }
0x85: {  	v2 =	vadd.f32 v6, v2  }
0x86: {  	v51 =	vpop (erf)  }
0x87: {  	v52 =	vld [tilespmem:s4+$0x30];
	v2 =	vsub.f32 $0.0e+00, v2;
	v53 =	vpop (erf)  }
0x88: {  	v7 =	vadd.f32 $1.000000000e+00, v53  }
0x89: {  	v54 =	vld [tilespmem:s6+$0xFFFFFFB0];
	v2 =	vmul.f32 $1.442695020e+00, v2  }
0x8a: {  	v55 =	vmul.f32 v5, v3;
	(erf) = vrcp.f32 v7  }
0x8b: {  	v56 =	vld [tilespmem:s6+$0x30];
	(erf) = vpow2.f32 v2  }
0x8c: {  	v1 =	vadd.f32 v55, v1;
	v57 =	vmul.f32 v52, v0;
	_ =	sdelay $0x1  }
0x8d: {  	v0 =	vadd.f32 v57, v1;
	v58 =	vmul.f32 v54, v13;
	_ =	sdelay $0x1  }
0x8e: {  	v59 =	vmul.f32 v56, v14;
	v0 =	vadd.f32 v58, v0;
	_ =	sdelay $0x1  }
0x8f: {  	v0 =	vadd.f32 v59, v0  }
0x90: {  	v60 =	vpop (erf)  }
0x91: {  	v0 =	vsub.f32 $0.0e+00, v0;
	v2 =	vpop (erf)  }
0x92: {  	v2 =	vadd.f32 $1.000000000e+00, v2  }
0x93: {  	v0 =	vmul.f32 $1.442695020e+00, v0  }
0x94: {  	(erf) = vrcp.f32 v2  }
0x95: {  	(erf) = vpow2.f32 v0;
	_ =	sdelay $0x7  }
0x96: {  	v61 =	vpop (erf)  }
0x97: {  	v62 =	vpop (erf)  }
0x98: {  	v2 =	vadd.f32 $1.000000000e+00, v62;
	_ =	sdelay $0x1  }
0x99: {  	(erf) = vrcp.f32 v2;
	_ =	sdelay $0x6  }
0x9a: {  	[tilespmem:$0x3980] =	vst v51  }
0x9b: {  	[tilespmem:$0x3990] =	vst v60  }
0x9c: {  	s2 =	sadd.s32 s2, s3;
	[tilespmem:$0x39A0] =	vst v61;
	v63 =	vpop (erf)  }
0x9d: {  	s29 =	simm.s32 $0x0;
	s30 =	simm.s32 $0x3980;
	s31 =	simm.s32 $0x4;
	[tilespmem:$0x39B0] =	vst v63  }
0x9e: {  	[hbm4b:s2+s29] =	stream.linear.scatter [tilespmem:s30], [sflag:$0x4], $0x40, $0x38;
	[tilespmem:$0x3A08] =	vst v63  }
0x9f: {  	_ =	swait.ge [sflag:s31], $0x40  }
0xa0: {  	[sflag:s31] =	ssyncset.done $0x0  }
0xa1: {  	[sflag:s31] =	ssyncadd.s32 $0xFFFFFFC0  }
0xa2: {  	_ =	sfence.sel $0x180000  }
0xa3: {  	[bflag:$0x0] =	sbarrier.arrive $0xFFFF  }
0xa4: {  	p0 =	sne.s32 s1, $0x0;
	_ =	strace $0x90000047  }
0xa5: {  	s0 =	sadd.s32 @!p0 $0x100000, s0;
	[bflag:$0x2] =	sbarrier.arrive $0xFFFF  }
0xa6: {  	[sflag:s0] =	ssyncadd.tile.s32 @!p0 $0x1;
	_ =	shalt  }
.Lfunc_end2:
_tile_overlayer_lowered:
.L_overlay_start_2:
0xa7: {  	(tag) =	ssettag $0x2  }
0xa8: {  	s0 =	rddreg [dreg:$0x0];
	s2 =	stileid.u32  }
0xa9: {  	s1 =	rddreg [dreg:$0x1];
	p0 =	sne.s32 s2, $0x0  }
0xaa: {  	s3 =	rddreg [dreg:$0x2];
	[bflag:$0x3] =	sbarrier.arrive $0xFFFF;
	s2 =	simm.s32 @!p0 $0x1C04  }
0xab: {  	[timem:s3], [sflag:s2] =	dma.local @!p0 [hbm:s0], s1  }
0xac: {  	s0 =	simm.s32 @!p0 $0x4  }
0xad: {  	_ =	swait.ge @!p0 [sflag:s0], s1  }
0xae: {  	s1 =	ssub.s32 @!p0 $0x0, s1;
	[sflag:s0] =	ssyncset.done @!p0 $0x0  }
0xaf: {  	[sflag:s0] =	ssyncadd.s32 @!p0 s1  }
0xb0: {  	[bflag:$0x3] =	sbarrier.arrive $0xFFFF  }
0xb1: {  	_ =	shalt  }

</sc_bundles>
